<compile_context>
chip_gen: v7x
topology: tpu7x:2x2x1
jax: 0.10.2.dev20260603
libtpu: 0.0.44.dev20260713+nightly
codegen_flags: <defaults>
</compile_context>

<pallas_src>
import functools

import jax
import jax.numpy as jnp
from jax import lax
from jax.experimental import pallas as pl
from jax.experimental.pallas import tpu as pltpu
from jax.experimental.pallas import tpu_sc as plsc

L = 16
NC = 2
NS = 16
NW = NC * NS
UNROLL = 8
HALVES = 2


def _insert(m1, m2, m3, x):
    n1 = jnp.maximum(m1, x)
    s1 = jnp.minimum(m1, x)
    n2 = jnp.maximum(m2, s1)
    s2 = jnp.minimum(m2, s1)
    n3 = jnp.maximum(m3, s2)
    return n1, n2, n3


def _bfly_max(x):
    idx = lax.iota(jnp.int32, L)
    for s in (8, 4, 2, 1):
        x = jnp.maximum(x, jnp.take_along_axis(x, idx ^ s, axis=0))
    return x


def _bfly_min_i32(x):
    idx = lax.iota(jnp.int32, L)
    for s in (8, 4, 2, 1):
        x = jnp.minimum(x, jnp.take_along_axis(x, idx ^ s, axis=0))
    return x


def _remove_first(m1, m2, m3, t):
    lane = lax.iota(jnp.int32, L)
    cand = jnp.where(m1 == t, lane, L)
    first = _bfly_min_i32(cand)
    oh = lane == first
    return jnp.where(oh, m2, m1), jnp.where(oh, m3, m2)


def _top3(m1, m2, m3):
    t1 = _bfly_max(m1)
    m1, m2 = _remove_first(m1, m2, m3, t1)
    t2 = _bfly_max(m1)
    m1, _ = _remove_first(m1, m2, m3, t2)
    t3 = _bfly_max(m1)
    return t1, t2, t3


TC_ROWS = 32


def _tc_partial(output, target):
    _, N = output.shape
    groups = TC_ROWS // 8

    def body(o_ref, t_ref, out_ref):
        neg = jnp.full((8, 128), -jnp.inf, jnp.float32)

        def tops(ref):
            def step(j, c):
                m1, m2, m3, = c
                v = ref[:, pl.ds(j * 128, 128)]
                n1 = jnp.maximum(m1, v)
                s1 = jnp.minimum(m1, v)
                n2 = jnp.maximum(m2, s1)
                s2 = jnp.minimum(m2, s1)
                n3 = jnp.maximum(m3, s2)
                return n1, n2, n3

            m1, m2, m3 = lax.fori_loop(0, N // 128, step, (neg, neg, neg))
            li = lax.broadcasted_iota(jnp.int32, (8, 128), 1)

            def remove_first(m1, m2, m3, t):
                cand = jnp.where(m1 == t, li, 128)
                fl = jnp.min(cand, axis=1, keepdims=True)
                oh = li == fl
                return jnp.where(oh, m2, m1), jnp.where(oh, m3, m2)

            t1 = jnp.max(m1, axis=1, keepdims=True)
            m1, m2 = remove_first(m1, m2, m3, t1)
            t2 = jnp.max(m1, axis=1, keepdims=True)
            m1, _ = remove_first(m1, m2, m3, t2)
            t3 = jnp.max(m1, axis=1, keepdims=True)
            return t1, t2, t3

        a1, a2, a3 = tops(o_ref)
        b1, b2, b3 = tops(t_ref)
        d1 = a1 - b1
        d2 = a2 - b2
        d3 = a3 - b3
        part = jnp.sum(9.0 * d1 * d1 + 4.0 * d2 * d2 + d3 * d3)

        @pl.when(pl.program_id(0) == 0)
        def _():
            out_ref[0, 0] = 0.0

        out_ref[0, 0] += part

    return pl.pallas_call(
        body,
        grid=(groups,),
        in_specs=[
            pl.BlockSpec((8, N), lambda j: (j, 0)),
            pl.BlockSpec((8, N), lambda j: (j, 0)),
        ],
        out_specs=pl.BlockSpec(memory_space=pltpu.SMEM),
        out_shape=jax.ShapeDtypeStruct((1, 1), jnp.float32),
    )(output, target)


def kernel(output, target):
    R, N = output.shape
    rows_sc = R - TC_ROWS
    rows_per = rows_sc // NW
    ch = N // HALVES
    steps = ch // (L * UNROLL)
    nchunks = rows_per * HALVES

    mesh = plsc.VectorSubcoreMesh(core_axis_name="c", subcore_axis_name="s")

    @functools.partial(
        pl.kernel,
        mesh=mesh,
        out_type=jax.ShapeDtypeStruct((NW, L), jnp.float32),
        scratch_types=[
            pltpu.VMEM((ch,), jnp.float32),
            pltpu.VMEM((ch,), jnp.float32),
            pltpu.VMEM((ch,), jnp.float32),
            pltpu.VMEM((ch,), jnp.float32),
            pltpu.VMEM((L,), jnp.float32),
            pltpu.SemaphoreType.DMA,
            pltpu.SemaphoreType.DMA,
        ],
        compiler_params=pltpu.CompilerParams(needs_layout_passes=False),
    )
    def sc_loss(out_hbm, tgt_hbm, part_hbm, bo0, bt0, bo1, bt1, buf_p, s0, s1):
        wid = lax.axis_index("s") * NC + lax.axis_index("c")
        slots = [(bo0, bt0, s0), (bo1, bt1, s1)]
        neg = jnp.full((L,), -jnp.inf, jnp.float32)
        row0 = TC_ROWS + wid * rows_per

        def copies(row, h):
            bo, bt, sem = slots[h]
            off = h * ch
            return (pltpu.make_async_copy(out_hbm.at[row, pl.ds(off, ch)], bo, sem),
                    pltpu.make_async_copy(tgt_hbm.at[row, pl.ds(off, ch)], bt, sem))

        for h in range(HALVES):
            for c in copies(row0, h):
                c.start()

        def row_body(r, acc):
            row = row0 + r
            carry = (neg, neg, neg, neg, neg, neg)
            for h in range(HALVES):
                for c in copies(row, h):
                    c.wait()
                bo, bt, _ = slots[h]

                def step(i, c, bo=bo, bt=bt):
                    o1, o2, o3, t1, t2, t3 = c
                    for u in range(UNROLL):
                        base = (i * UNROLL + u) * L
                        x = bo[pl.ds(base, L)]
                        y = bt[pl.ds(base, L)]
                        o1, o2, o3 = _insert(o1, o2, o3, x)
                        t1, t2, t3 = _insert(t1, t2, t3, y)
                    return o1, o2, o3, t1, t2, t3

                carry = lax.fori_loop(0, steps, step, carry)

                @pl.when(r + 1 < rows_per)
                def _():
                    for c in copies(row + 1, h):
                        c.start()

            o1, o2, o3, t1, t2, t3 = carry
            a1, a2, a3 = _top3(o1, o2, o3)
            b1, b2, b3 = _top3(t1, t2, t3)
            d1 = a1 - b1
            d2 = a2 - b2
            d3 = a3 - b3
            return acc + 9.0 * d1 * d1 + 4.0 * d2 * d2 + d3 * d3

        acc = lax.fori_loop(0, rows_per, row_body, jnp.zeros((L,), jnp.float32))
        buf_p[...] = acc
        pltpu.sync_copy(buf_p, part_hbm.at[wid])

    parts = sc_loss(output, target)
    tc_part = _tc_partial(output, target)
    return (jnp.sum(parts[:, 0]) + tc_part[0, 0]) / jnp.float32(R * 3)

# --- scband reference (transcript-rebuilt; emitter-appended) ---
"""Pipeline reference for scband-imbalance-mse-loss-5119601017195 (READ-ONLY COPY).

The authoritative reference and input builder live on the scoring server;
editing this copy changes nothing except your own understanding.
"""

import jax, jax.numpy as jnp
import numpy as np

REG1, REG2, REG3 = 3.0, 2.0, 1.0


def setup_inputs(seed: int = 0) -> dict:
    key = jax.random.key(seed)
    k1, k2 = jax.random.split(key)
    output = jax.random.normal(k1, (128, 32768), dtype=jnp.float32)
    target = jax.random.normal(k2, (128, 32768), dtype=jnp.float32)
    return {"output": output, "target": target}


def reference(output, target):
    # torch.topk(x, 3) along last dim -> jax.lax.top_k
    top_output, _ = jax.lax.top_k(output, 3)
    top_target, _ = jax.lax.top_k(target, 3)
    coefficient = jnp.array([REG1, REG2, REG3], dtype=jnp.float32)
    top_output = top_output * coefficient
    top_target = top_target * coefficient
    # F.mse_loss with reduction='mean'
    return jnp.mean((top_output - top_target) ** 2)

if __name__ == "__main__":
    import jax
    _d = setup_inputs()
    print(jax.jit(kernel)(*tuple(_d.values())))

</pallas_src>

<mosaic_0001>
#map = affine_map<(d0, d1) -> (0, 0)>
module attributes {stable_mosaic.version = 14 : i64} {
  func.func @sc_loss(%arg0: i32, %arg1: i32, %arg2: memref<128x32768xf32, #tpu.memory_space<hbm>>, %arg3: memref<128x32768xf32, #tpu.memory_space<hbm>>, %arg4: memref<32x16xf32, #tpu.memory_space<hbm>>, %arg5: memref<16384xf32, #tpu.memory_space<vmem>>, %arg6: memref<16384xf32, #tpu.memory_space<vmem>>, %arg7: memref<16384xf32, #tpu.memory_space<vmem>>, %arg8: memref<16384xf32, #tpu.memory_space<vmem>>, %arg9: memref<16xf32, #tpu.memory_space<vmem>>, %arg10: memref<!tpu.dma_semaphore, #tpu.memory_space<semaphore_mem>>, %arg11: memref<!tpu.dma_semaphore, #tpu.memory_space<semaphore_mem>>) attributes {dimension_semantics = [#tpu.dimension_semantics<core_parallel>, #tpu.dimension_semantics<subcore_parallel>], iteration_bounds = array<i64: 2, 16>, scalar_prefetch = 0 : i64, scratch_operands = 7 : i64, tpu.core_type = #tpu.core_type<sc_vector_subcore>, window_params = [{transform_indices = #map}, {transform_indices = #map}, {transform_indices = #map}]} {
    %mul3A = arith.constant 2 : i32
    %mul3A_0 = arith.muli %arg1, %mul3A : i32
    %add3A = arith.addi %mul3A_0, %arg0 : i32
    %broadcast_in_dim3A = arith.constant 0xFF800000 : f32
    %broadcast_in_dim3A_1 = vector.broadcast %broadcast_in_dim3A : f32 to vector<16xf32>
    %mul3A_2 = arith.constant 3 : i32
    %mul3A_3 = arith.muli %add3A, %mul3A_2 : i32
    %add3A_4 = arith.constant 32 : i32
    %add3A_5 = arith.addi %add3A_4, %mul3A_3 : i32
    %dma_start3A = arith.constant 0 : i32
    %dma_start3A_6 = tpu.memref_slice %arg2[%add3A_5, %dma_start3A] : memref<128x32768xf32, #tpu.memory_space<hbm>> -> memref<1x16384xf32, #tpu.memory_space<hbm>>
    %dma_start3A_7 = tpu.memref_squeeze %dma_start3A_6 : memref<1x16384xf32, #tpu.memory_space<hbm>> -> memref<16384xf32, #tpu.memory_space<hbm>>
    %dma_start3A_8 = arith.constant 0 : i32
    %dma_start3A_9 = tpu.memref_slice %arg2[%add3A_5, %dma_start3A_8] : memref<128x32768xf32, #tpu.memory_space<hbm>> -> memref<1x16384xf32, #tpu.memory_space<hbm>>
    %dma_start3A_10 = tpu.memref_squeeze %dma_start3A_9 : memref<1x16384xf32, #tpu.memory_space<hbm>> -> memref<16384xf32, #tpu.memory_space<hbm>>
    tpu.enqueue_dma source(%dma_start3A_10 : memref<16384xf32, #tpu.memory_space<hbm>>) target(%arg5 : memref<16384xf32, #tpu.memory_space<vmem>>) target_semaphore(%arg10 : memref<!tpu.dma_semaphore, #tpu.memory_space<semaphore_mem>>)
    %dma_start3A_11 = arith.constant 0 : i32
    %dma_start3A_12 = tpu.memref_slice %arg3[%add3A_5, %dma_start3A_11] : memref<128x32768xf32, #tpu.memory_space<hbm>> -> memref<1x16384xf32, #tpu.memory_space<hbm>>
    %dma_start3A_13 = tpu.memref_squeeze %dma_start3A_12 : memref<1x16384xf32, #tpu.memory_space<hbm>> -> memref<16384xf32, #tpu.memory_space<hbm>>
    %dma_start3A_14 = arith.constant 0 : i32
    %dma_start3A_15 = tpu.memref_slice %arg3[%add3A_5, %dma_start3A_14] : memref<128x32768xf32, #tpu.memory_space<hbm>> -> memref<1x16384xf32, #tpu.memory_space<hbm>>
    %dma_start3A_16 = tpu.memref_squeeze %dma_start3A_15 : memref<1x16384xf32, #tpu.memory_space<hbm>> -> memref<16384xf32, #tpu.memory_space<hbm>>
    tpu.enqueue_dma source(%dma_start3A_16 : memref<16384xf32, #tpu.memory_space<hbm>>) target(%arg6 : memref<16384xf32, #tpu.memory_space<vmem>>) target_semaphore(%arg10 : memref<!tpu.dma_semaphore, #tpu.memory_space<semaphore_mem>>)
    %dma_start3A_17 = arith.constant 16384 : i32
    %dma_start3A_18 = tpu.memref_slice %arg2[%add3A_5, %dma_start3A_17] : memref<128x32768xf32, #tpu.memory_space<hbm>> -> memref<1x16384xf32, #tpu.memory_space<hbm>>
    %dma_start3A_19 = tpu.memref_squeeze %dma_start3A_18 : memref<1x16384xf32, #tpu.memory_space<hbm>> -> memref<16384xf32, #tpu.memory_space<hbm>>
    %dma_start3A_20 = arith.constant 16384 : i32
    %dma_start3A_21 = tpu.memref_slice %arg2[%add3A_5, %dma_start3A_20] : memref<128x32768xf32, #tpu.memory_space<hbm>> -> memref<1x16384xf32, #tpu.memory_space<hbm>>
    %dma_start3A_22 = tpu.memref_squeeze %dma_start3A_21 : memref<1x16384xf32, #tpu.memory_space<hbm>> -> memref<16384xf32, #tpu.memory_space<hbm>>
    tpu.enqueue_dma source(%dma_start3A_22 : memref<16384xf32, #tpu.memory_space<hbm>>) target(%arg7 : memref<16384xf32, #tpu.memory_space<vmem>>) target_semaphore(%arg11 : memref<!tpu.dma_semaphore, #tpu.memory_space<semaphore_mem>>)
    %dma_start3A_23 = arith.constant 16384 : i32
    %dma_start3A_24 = tpu.memref_slice %arg3[%add3A_5, %dma_start3A_23] : memref<128x32768xf32, #tpu.memory_space<hbm>> -> memref<1x16384xf32, #tpu.memory_space<hbm>>
    %dma_start3A_25 = tpu.memref_squeeze %dma_start3A_24 : memref<1x16384xf32, #tpu.memory_space<hbm>> -> memref<16384xf32, #tpu.memory_space<hbm>>
    %dma_start3A_26 = arith.constant 16384 : i32
    %dma_start3A_27 = tpu.memref_slice %arg3[%add3A_5, %dma_start3A_26] : memref<128x32768xf32, #tpu.memory_space<hbm>> -> memref<1x16384xf32, #tpu.memory_space<hbm>>
    %dma_start3A_28 = tpu.memref_squeeze %dma_start3A_27 : memref<1x16384xf32, #tpu.memory_space<hbm>> -> memref<16384xf32, #tpu.memory_space<hbm>>
    tpu.enqueue_dma source(%dma_start3A_28 : memref<16384xf32, #tpu.memory_space<hbm>>) target(%arg8 : memref<16384xf32, #tpu.memory_space<vmem>>) target_semaphore(%arg11 : memref<!tpu.dma_semaphore, #tpu.memory_space<semaphore_mem>>)
    %broadcast_in_dim3A_29 = arith.constant 0.000000e+00 : f32
    %broadcast_in_dim3A_30 = vector.broadcast %broadcast_in_dim3A_29 : f32 to vector<16xf32>
    %scan3A = arith.constant 0 : i32
    %scan3A_31 = arith.constant 3 : i32
    %scan3A_32 = arith.addi %scan3A, %scan3A_31 : i32
    %scan3A_33 = arith.constant 1 : i32
    %scan3A_34 = scf.for %scan3A_37 = %scan3A to %scan3A_32 step %scan3A_33 iter_args(%scan3A_38 = %broadcast_in_dim3A_30) -> (vector<16xf32>)  : i32 {
      %add3A_39 = arith.addi %add3A_5, %scan3A_37 : i32
      %dma_wait3A = arith.constant 0 : i32
      %dma_wait3A_40 = tpu.memref_slice %arg2[%add3A_39, %dma_wait3A] : memref<128x32768xf32, #tpu.memory_space<hbm>> -> memref<1x16384xf32, #tpu.memory_space<hbm>>
      %dma_wait3A_41 = tpu.memref_squeeze %dma_wait3A_40 : memref<1x16384xf32, #tpu.memory_space<hbm>> -> memref<16384xf32, #tpu.memory_space<hbm>>
      %dma_wait3A_42 = arith.constant 0 : i32
      %dma_wait3A_43 = tpu.memref_slice %arg2[%add3A_39, %dma_wait3A_42] : memref<128x32768xf32, #tpu.memory_space<hbm>> -> memref<1x16384xf32, #tpu.memory_space<hbm>>
      %dma_wait3A_44 = tpu.memref_squeeze %dma_wait3A_43 : memref<1x16384xf32, #tpu.memory_space<hbm>> -> memref<16384xf32, #tpu.memory_space<hbm>>
      tpu.wait_dma2 semaphore(%arg10 : memref<!tpu.dma_semaphore, #tpu.memory_space<semaphore_mem>>) src(%dma_wait3A_44 : memref<16384xf32, #tpu.memory_space<hbm>>) dst(%arg5 : memref<16384xf32, #tpu.memory_space<vmem>>)
      %dma_wait3A_45 = arith.constant 0 : i32
      %dma_wait3A_46 = tpu.memref_slice %arg3[%add3A_39, %dma_wait3A_45] : memref<128x32768xf32, #tpu.memory_space<hbm>> -> memref<1x16384xf32, #tpu.memory_space<hbm>>
      %dma_wait3A_47 = tpu.memref_squeeze %dma_wait3A_46 : memref<1x16384xf32, #tpu.memory_space<hbm>> -> memref<16384xf32, #tpu.memory_space<hbm>>
      %dma_wait3A_48 = arith.constant 0 : i32
      %dma_wait3A_49 = tpu.memref_slice %arg3[%add3A_39, %dma_wait3A_48] : memref<128x32768xf32, #tpu.memory_space<hbm>> -> memref<1x16384xf32, #tpu.memory_space<hbm>>
      %dma_wait3A_50 = tpu.memref_squeeze %dma_wait3A_49 : memref<1x16384xf32, #tpu.memory_space<hbm>> -> memref<16384xf32, #tpu.memory_space<hbm>>
      tpu.wait_dma2 semaphore(%arg10 : memref<!tpu.dma_semaphore, #tpu.memory_space<semaphore_mem>>) src(%dma_wait3A_50 : memref<16384xf32, #tpu.memory_space<hbm>>) dst(%arg6 : memref<16384xf32, #tpu.memory_space<vmem>>)
      %scan3A_51 = arith.constant 0 : i32
      %scan3A_52 = arith.constant 128 : i32
      %scan3A_53 = arith.addi %scan3A_51, %scan3A_52 : i32
      %scan3A_54 = arith.constant 1 : i32
      %scan3A_55:6 = scf.for %scan3A_693 = %scan3A_51 to %scan3A_53 step %scan3A_54 iter_args(%scan3A_694 = %broadcast_in_dim3A_1, %scan3A_695 = %broadcast_in_dim3A_1, %scan3A_696 = %broadcast_in_dim3A_1, %scan3A_697 = %broadcast_in_dim3A_1, %scan3A_698 = %broadcast_in_dim3A_1, %scan3A_699 = %broadcast_in_dim3A_1) -> (vector<16xf32>, vector<16xf32>, vector<16xf32>, vector<16xf32>, vector<16xf32>, vector<16xf32>)  : i32 {
        %mul3A_700 = arith.constant 8 : i32
        %mul3A_701 = arith.muli %scan3A_693, %mul3A_700 : i32
        %add3A_702 = arith.constant 0 : i32
        %add3A_703 = arith.addi %mul3A_701, %add3A_702 : i32
        %mul3A_704 = arith.constant 16 : i32
        %mul3A_705 = arith.muli %add3A_703, %mul3A_704 : i32
        %get3A = arith.index_cast %mul3A_705 : i32 to index
        %get3A_706 = tpu.vector_load %arg5[%get3A] {strides = array<i32>} : memref<16384xf32, #tpu.memory_space<vmem>>, vector<16xf32>,
        %get3A_707 = arith.index_cast %mul3A_705 : i32 to index
        %get3A_708 = tpu.vector_load %arg6[%get3A_707] {strides = array<i32>} : memref<16384xf32, #tpu.memory_space<vmem>>, vector<16xf32>,
        %max3A_709 = arith.maximumf %scan3A_694, %get3A_706 : vector<16xf32>
        %min3A_710 = arith.minimumf %scan3A_694, %get3A_706 : vector<16xf32>
        %max3A_711 = arith.maximumf %scan3A_695, %min3A_710 : vector<16xf32>
        %min3A_712 = arith.minimumf %scan3A_695, %min3A_710 : vector<16xf32>
        %max3A_713 = arith.maximumf %scan3A_696, %min3A_712 : vector<16xf32>
        %max3A_714 = arith.maximumf %scan3A_697, %get3A_708 : vector<16xf32>
        %min3A_715 = arith.minimumf %scan3A_697, %get3A_708 : vector<16xf32>
        %max3A_716 = arith.maximumf %scan3A_698, %min3A_715 : vector<16xf32>
        %min3A_717 = arith.minimumf %scan3A_698, %min3A_715 : vector<16xf32>
        %max3A_718 = arith.maximumf %scan3A_699, %min3A_717 : vector<16xf32>
        %mul3A_719 = arith.constant 8 : i32
        %mul3A_720 = arith.muli %scan3A_693, %mul3A_719 : i32
        %add3A_721 = arith.constant 1 : i32
        %add3A_722 = arith.addi %mul3A_720, %add3A_721 : i32
        %mul3A_723 = arith.constant 16 : i32
        %mul3A_724 = arith.muli %add3A_722, %mul3A_723 : i32
        %get3A_725 = arith.index_cast %mul3A_724 : i32 to index
        %get3A_726 = tpu.vector_load %arg5[%get3A_725] {strides = array<i32>} : memref<16384xf32, #tpu.memory_space<vmem>>, vector<16xf32>,
        %get3A_727 = arith.index_cast %mul3A_724 : i32 to index
        %get3A_728 = tpu.vector_load %arg6[%get3A_727] {strides = array<i32>} : memref<16384xf32, #tpu.memory_space<vmem>>, vector<16xf32>,
        %max3A_729 = arith.maximumf %max3A_709, %get3A_726 : vector<16xf32>
        %min3A_730 = arith.minimumf %max3A_709, %get3A_726 : vector<16xf32>
        %max3A_731 = arith.maximumf %max3A_711, %min3A_730 : vector<16xf32>
        %min3A_732 = arith.minimumf %max3A_711, %min3A_730 : vector<16xf32>
        %max3A_733 = arith.maximumf %max3A_713, %min3A_732 : vector<16xf32>
        %max3A_734 = arith.maximumf %max3A_714, %get3A_728 : vector<16xf32>
        %min3A_735 = arith.minimumf %max3A_714, %get3A_728 : vector<16xf32>
        %max3A_736 = arith.maximumf %max3A_716, %min3A_735 : vector<16xf32>
        %min3A_737 = arith.minimumf %max3A_716, %min3A_735 : vector<16xf32>
        %max3A_738 = arith.maximumf %max3A_718, %min3A_737 : vector<16xf32>
        %mul3A_739 = arith.constant 8 : i32
        %mul3A_740 = arith.muli %scan3A_693, %mul3A_739 : i32
        %add3A_741 = arith.constant 2 : i32
        %add3A_742 = arith.addi %mul3A_740, %add3A_741 : i32
        %mul3A_743 = arith.constant 16 : i32
        %mul3A_744 = arith.muli %add3A_742, %mul3A_743 : i32
        %get3A_745 = arith.index_cast %mul3A_744 : i32 to index
        %get3A_746 = tpu.vector_load %arg5[%get3A_745] {strides = array<i32>} : memref<16384xf32, #tpu.memory_space<vmem>>, vector<16xf32>,
        %get3A_747 = arith.index_cast %mul3A_744 : i32 to index
        %get3A_748 = tpu.vector_load %arg6[%get3A_747] {strides = array<i32>} : memref<16384xf32, #tpu.memory_space<vmem>>, vector<16xf32>,
        %max3A_749 = arith.maximumf %max3A_729, %get3A_746 : vector<16xf32>
        %min3A_750 = arith.minimumf %max3A_729, %get3A_746 : vector<16xf32>
        %max3A_751 = arith.maximumf %max3A_731, %min3A_750 : vector<16xf32>
        %min3A_752 = arith.minimumf %max3A_731, %min3A_750 : vector<16xf32>
        %max3A_753 = arith.maximumf %max3A_733, %min3A_752 : vector<16xf32>
        %max3A_754 = arith.maximumf %max3A_734, %get3A_748 : vector<16xf32>
        %min3A_755 = arith.minimumf %max3A_734, %get3A_748 : vector<16xf32>
        %max3A_756 = arith.maximumf %max3A_736, %min3A_755 : vector<16xf32>
        %min3A_757 = arith.minimumf %max3A_736, %min3A_755 : vector<16xf32>
        %max3A_758 = arith.maximumf %max3A_738, %min3A_757 : vector<16xf32>
        %mul3A_759 = arith.constant 8 : i32
        %mul3A_760 = arith.muli %scan3A_693, %mul3A_759 : i32
        %add3A_761 = arith.constant 3 : i32
        %add3A_762 = arith.addi %mul3A_760, %add3A_761 : i32
        %mul3A_763 = arith.constant 16 : i32
        %mul3A_764 = arith.muli %add3A_762, %mul3A_763 : i32
        %get3A_765 = arith.index_cast %mul3A_764 : i32 to index
        %get3A_766 = tpu.vector_load %arg5[%get3A_765] {strides = array<i32>} : memref<16384xf32, #tpu.memory_space<vmem>>, vector<16xf32>,
        %get3A_767 = arith.index_cast %mul3A_764 : i32 to index
        %get3A_768 = tpu.vector_load %arg6[%get3A_767] {strides = array<i32>} : memref<16384xf32, #tpu.memory_space<vmem>>, vector<16xf32>,
        %max3A_769 = arith.maximumf %max3A_749, %get3A_766 : vector<16xf32>
        %min3A_770 = arith.minimumf %max3A_749, %get3A_766 : vector<16xf32>
        %max3A_771 = arith.maximumf %max3A_751, %min3A_770 : vector<16xf32>
        %min3A_772 = arith.minimumf %max3A_751, %min3A_770 : vector<16xf32>
        %max3A_773 = arith.maximumf %max3A_753, %min3A_772 : vector<16xf32>
        %max3A_774 = arith.maximumf %max3A_754, %get3A_768 : vector<16xf32>
        %min3A_775 = arith.minimumf %max3A_754, %get3A_768 : vector<16xf32>
        %max3A_776 = arith.maximumf %max3A_756, %min3A_775 : vector<16xf32>
        %min3A_777 = arith.minimumf %max3A_756, %min3A_775 : vector<16xf32>
        %max3A_778 = arith.maximumf %max3A_758, %min3A_777 : vector<16xf32>
        %mul3A_779 = arith.constant 8 : i32
        %mul3A_780 = arith.muli %scan3A_693, %mul3A_779 : i32
        %add3A_781 = arith.constant 4 : i32
        %add3A_782 = arith.addi %mul3A_780, %add3A_781 : i32
        %mul3A_783 = arith.constant 16 : i32
        %mul3A_784 = arith.muli %add3A_782, %mul3A_783 : i32
        %get3A_785 = arith.index_cast %mul3A_784 : i32 to index
        %get3A_786 = tpu.vector_load %arg5[%get3A_785] {strides = array<i32>} : memref<16384xf32, #tpu.memory_space<vmem>>, vector<16xf32>,
        %get3A_787 = arith.index_cast %mul3A_784 : i32 to index
        %get3A_788 = tpu.vector_load %arg6[%get3A_787] {strides = array<i32>} : memref<16384xf32, #tpu.memory_space<vmem>>, vector<16xf32>,
        %max3A_789 = arith.maximumf %max3A_769, %get3A_786 : vector<16xf32>
        %min3A_790 = arith.minimumf %max3A_769, %get3A_786 : vector<16xf32>
        %max3A_791 = arith.maximumf %max3A_771, %min3A_790 : vector<16xf32>
        %min3A_792 = arith.minimumf %max3A_771, %min3A_790 : vector<16xf32>
        %max3A_793 = arith.maximumf %max3A_773, %min3A_792 : vector<16xf32>
        %max3A_794 = arith.maximumf %max3A_774, %get3A_788 : vector<16xf32>
        %min3A_795 = arith.minimumf %max3A_774, %get3A_788 : vector<16xf32>
        %max3A_796 = arith.maximumf %max3A_776, %min3A_795 : vector<16xf32>
        %min3A_797 = arith.minimumf %max3A_776, %min3A_795 : vector<16xf32>
        %max3A_798 = arith.maximumf %max3A_778, %min3A_797 : vector<16xf32>
        %mul3A_799 = arith.constant 8 : i32
        %mul3A_800 = arith.muli %scan3A_693, %mul3A_799 : i32
        %add3A_801 = arith.constant 5 : i32
        %add3A_802 = arith.addi %mul3A_800, %add3A_801 : i32
        %mul3A_803 = arith.constant 16 : i32
        %mul3A_804 = arith.muli %add3A_802, %mul3A_803 : i32
        %get3A_805 = arith.index_cast %mul3A_804 : i32 to index
        %get3A_806 = tpu.vector_load %arg5[%get3A_805] {strides = array<i32>} : memref<16384xf32, #tpu.memory_space<vmem>>, vector<16xf32>,
        %get3A_807 = arith.index_cast %mul3A_804 : i32 to index
        %get3A_808 = tpu.vector_load %arg6[%get3A_807] {strides = array<i32>} : memref<16384xf32, #tpu.memory_space<vmem>>, vector<16xf32>,
        %max3A_809 = arith.maximumf %max3A_789, %get3A_806 : vector<16xf32>
        %min3A_810 = arith.minimumf %max3A_789, %get3A_806 : vector<16xf32>
        %max3A_811 = arith.maximumf %max3A_791, %min3A_810 : vector<16xf32>
        %min3A_812 = arith.minimumf %max3A_791, %min3A_810 : vector<16xf32>
        %max3A_813 = arith.maximumf %max3A_793, %min3A_812 : vector<16xf32>
        %max3A_814 = arith.maximumf %max3A_794, %get3A_808 : vector<16xf32>
        %min3A_815 = arith.minimumf %max3A_794, %get3A_808 : vector<16xf32>
        %max3A_816 = arith.maximumf %max3A_796, %min3A_815 : vector<16xf32>
        %min3A_817 = arith.minimumf %max3A_796, %min3A_815 : vector<16xf32>
        %max3A_818 = arith.maximumf %max3A_798, %min3A_817 : vector<16xf32>
        %mul3A_819 = arith.constant 8 : i32
        %mul3A_820 = arith.muli %scan3A_693, %mul3A_819 : i32
        %add3A_821 = arith.constant 6 : i32
        %add3A_822 = arith.addi %mul3A_820, %add3A_821 : i32
        %mul3A_823 = arith.constant 16 : i32
        %mul3A_824 = arith.muli %add3A_822, %mul3A_823 : i32
        %get3A_825 = arith.index_cast %mul3A_824 : i32 to index
        %get3A_826 = tpu.vector_load %arg5[%get3A_825] {strides = array<i32>} : memref<16384xf32, #tpu.memory_space<vmem>>, vector<16xf32>,
        %get3A_827 = arith.index_cast %mul3A_824 : i32 to index
        %get3A_828 = tpu.vector_load %arg6[%get3A_827] {strides = array<i32>} : memref<16384xf32, #tpu.memory_space<vmem>>, vector<16xf32>,
        %max3A_829 = arith.maximumf %max3A_809, %get3A_826 : vector<16xf32>
        %min3A_830 = arith.minimumf %max3A_809, %get3A_826 : vector<16xf32>
        %max3A_831 = arith.maximumf %max3A_811, %min3A_830 : vector<16xf32>
        %min3A_832 = arith.minimumf %max3A_811, %min3A_830 : vector<16xf32>
        %max3A_833 = arith.maximumf %max3A_813, %min3A_832 : vector<16xf32>
        %max3A_834 = arith.maximumf %max3A_814, %get3A_828 : vector<16xf32>
        %min3A_835 = arith.minimumf %max3A_814, %get3A_828 : vector<16xf32>
        %max3A_836 = arith.maximumf %max3A_816, %min3A_835 : vector<16xf32>
        %min3A_837 = arith.minimumf %max3A_816, %min3A_835 : vector<16xf32>
        %max3A_838 = arith.maximumf %max3A_818, %min3A_837 : vector<16xf32>
        %mul3A_839 = arith.constant 8 : i32
        %mul3A_840 = arith.muli %scan3A_693, %mul3A_839 : i32
        %add3A_841 = arith.constant 7 : i32
        %add3A_842 = arith.addi %mul3A_840, %add3A_841 : i32
        %mul3A_843 = arith.constant 16 : i32
        %mul3A_844 = arith.muli %add3A_842, %mul3A_843 : i32
        %get3A_845 = arith.index_cast %mul3A_844 : i32 to index
        %get3A_846 = tpu.vector_load %arg5[%get3A_845] {strides = array<i32>} : memref<16384xf32, #tpu.memory_space<vmem>>, vector<16xf32>,
        %get3A_847 = arith.index_cast %mul3A_844 : i32 to index
        %get3A_848 = tpu.vector_load %arg6[%get3A_847] {strides = array<i32>} : memref<16384xf32, #tpu.memory_space<vmem>>, vector<16xf32>,
        %max3A_849 = arith.maximumf %max3A_829, %get3A_846 : vector<16xf32>
        %min3A_850 = arith.minimumf %max3A_829, %get3A_846 : vector<16xf32>
        %max3A_851 = arith.maximumf %max3A_831, %min3A_850 : vector<16xf32>
        %min3A_852 = arith.minimumf %max3A_831, %min3A_850 : vector<16xf32>
        %max3A_853 = arith.maximumf %max3A_833, %min3A_852 : vector<16xf32>
        %max3A_854 = arith.maximumf %max3A_834, %get3A_848 : vector<16xf32>
        %min3A_855 = arith.minimumf %max3A_834, %get3A_848 : vector<16xf32>
        %max3A_856 = arith.maximumf %max3A_836, %min3A_855 : vector<16xf32>
        %min3A_857 = arith.minimumf %max3A_836, %min3A_855 : vector<16xf32>
        %max3A_858 = arith.maximumf %max3A_838, %min3A_857 : vector<16xf32>
        scf.yield %max3A_849, %max3A_851, %max3A_853, %max3A_854, %max3A_856, %max3A_858 : vector<16xf32>, vector<16xf32>, vector<16xf32>, vector<16xf32>, vector<16xf32>, vector<16xf32>
      }
      %scan3A_56 = arith.constant 128 : i32
      %add3A_57 = arith.constant 1 : i32
      %add3A_58 = arith.addi %scan3A_37, %add3A_57 : i32
      %lt3A = arith.constant 3 : i32
      %lt3A_59 = arith.cmpi slt, %add3A_58, %lt3A : i32
      %convert_element_type3A = arith.extui %lt3A_59 : i1 to i32
      %cond3A = arith.constant 0 : i32
      %cond3A_60 = arith.cmpi ne, %convert_element_type3A, %cond3A : i32
      scf.if %cond3A_60 {
        %add3A_693 = arith.constant 1 : i32
        %add3A_694 = arith.addi %add3A_39, %add3A_693 : i32
        %dma_start3A_695 = arith.constant 0 : i32
        %dma_start3A_696 = tpu.memref_slice %arg2[%add3A_694, %dma_start3A_695] : memref<128x32768xf32, #tpu.memory_space<hbm>> -> memref<1x16384xf32, #tpu.memory_space<hbm>>
        %dma_start3A_697 = tpu.memref_squeeze %dma_start3A_696 : memref<1x16384xf32, #tpu.memory_space<hbm>> -> memref<16384xf32, #tpu.memory_space<hbm>>
        %dma_start3A_698 = arith.constant 0 : i32
        %dma_start3A_699 = tpu.memref_slice %arg2[%add3A_694, %dma_start3A_698] : memref<128x32768xf32, #tpu.memory_space<hbm>> -> memref<1x16384xf32, #tpu.memory_space<hbm>>
        %dma_start3A_700 = tpu.memref_squeeze %dma_start3A_699 : memref<1x16384xf32, #tpu.memory_space<hbm>> -> memref<16384xf32, #tpu.memory_space<hbm>>
        tpu.enqueue_dma source(%dma_start3A_700 : memref<16384xf32, #tpu.memory_space<hbm>>) target(%arg5 : memref<16384xf32, #tpu.memory_space<vmem>>) target_semaphore(%arg10 : memref<!tpu.dma_semaphore, #tpu.memory_space<semaphore_mem>>)
        %dma_start3A_701 = arith.constant 0 : i32
        %dma_start3A_702 = tpu.memref_slice %arg3[%add3A_694, %dma_start3A_701] : memref<128x32768xf32, #tpu.memory_space<hbm>> -> memref<1x16384xf32, #tpu.memory_space<hbm>>
        %dma_start3A_703 = tpu.memref_squeeze %dma_start3A_702 : memref<1x16384xf32, #tpu.memory_space<hbm>> -> memref<16384xf32, #tpu.memory_space<hbm>>
        %dma_start3A_704 = arith.constant 0 : i32
        %dma_start3A_705 = tpu.memref_slice %arg3[%add3A_694, %dma_start3A_704] : memref<128x32768xf32, #tpu.memory_space<hbm>> -> memref<1x16384xf32, #tpu.memory_space<hbm>>
        %dma_start3A_706 = tpu.memref_squeeze %dma_start3A_705 : memref<1x16384xf32, #tpu.memory_space<hbm>> -> memref<16384xf32, #tpu.memory_space<hbm>>
        tpu.enqueue_dma source(%dma_start3A_706 : memref<16384xf32, #tpu.memory_space<hbm>>) target(%arg6 : memref<16384xf32, #tpu.memory_space<vmem>>) target_semaphore(%arg10 : memref<!tpu.dma_semaphore, #tpu.memory_space<semaphore_mem>>)
      } else {
      }
      %dma_wait3A_61 = arith.constant 16384 : i32
      %dma_wait3A_62 = tpu.memref_slice %arg2[%add3A_39, %dma_wait3A_61] : memref<128x32768xf32, #tpu.memory_space<hbm>> -> memref<1x16384xf32, #tpu.memory_space<hbm>>
      %dma_wait3A_63 = tpu.memref_squeeze %dma_wait3A_62 : memref<1x16384xf32, #tpu.memory_space<hbm>> -> memref<16384xf32, #tpu.memory_space<hbm>>
      %dma_wait3A_64 = arith.constant 16384 : i32
      %dma_wait3A_65 = tpu.memref_slice %arg2[%add3A_39, %dma_wait3A_64] : memref<128x32768xf32, #tpu.memory_space<hbm>> -> memref<1x16384xf32, #tpu.memory_space<hbm>>
      %dma_wait3A_66 = tpu.memref_squeeze %dma_wait3A_65 : memref<1x16384xf32, #tpu.memory_space<hbm>> -> memref<16384xf32, #tpu.memory_space<hbm>>
      tpu.wait_dma2 semaphore(%arg11 : memref<!tpu.dma_semaphore, #tpu.memory_space<semaphore_mem>>) src(%dma_wait3A_66 : memref<16384xf32, #tpu.memory_space<hbm>>) dst(%arg7 : memref<16384xf32, #tpu.memory_space<vmem>>)
      %dma_wait3A_67 = arith.constant 16384 : i32
      %dma_wait3A_68 = tpu.memref_slice %arg3[%add3A_39, %dma_wait3A_67] : memref<128x32768xf32, #tpu.memory_space<hbm>> -> memref<1x16384xf32, #tpu.memory_space<hbm>>
      %dma_wait3A_69 = tpu.memref_squeeze %dma_wait3A_68 : memref<1x16384xf32, #tpu.memory_space<hbm>> -> memref<16384xf32, #tpu.memory_space<hbm>>
      %dma_wait3A_70 = arith.constant 16384 : i32
      %dma_wait3A_71 = tpu.memref_slice %arg3[%add3A_39, %dma_wait3A_70] : memref<128x32768xf32, #tpu.memory_space<hbm>> -> memref<1x16384xf32, #tpu.memory_space<hbm>>
      %dma_wait3A_72 = tpu.memref_squeeze %dma_wait3A_71 : memref<1x16384xf32, #tpu.memory_space<hbm>> -> memref<16384xf32, #tpu.memory_space<hbm>>
      tpu.wait_dma2 semaphore(%arg11 : memref<!tpu.dma_semaphore, #tpu.memory_space<semaphore_mem>>) src(%dma_wait3A_72 : memref<16384xf32, #tpu.memory_space<hbm>>) dst(%arg8 : memref<16384xf32, #tpu.memory_space<vmem>>)
      %scan3A_73 = arith.constant 0 : i32
      %scan3A_74 = arith.constant 128 : i32
      %scan3A_75 = arith.addi %scan3A_73, %scan3A_74 : i32
      %scan3A_76 = arith.constant 1 : i32
      %scan3A_77:6 = scf.for %scan3A_693 = %scan3A_73 to %scan3A_75 step %scan3A_76 iter_args(%scan3A_694 = %scan3A_55#0, %scan3A_695 = %scan3A_55#1, %scan3A_696 = %scan3A_55#2, %scan3A_697 = %scan3A_55#3, %scan3A_698 = %scan3A_55#4, %scan3A_699 = %scan3A_55#5) -> (vector<16xf32>, vector<16xf32>, vector<16xf32>, vector<16xf32>, vector<16xf32>, vector<16xf32>)  : i32 {
        %mul3A_700 = arith.constant 8 : i32
        %mul3A_701 = arith.muli %scan3A_693, %mul3A_700 : i32
        %add3A_702 = arith.constant 0 : i32
        %add3A_703 = arith.addi %mul3A_701, %add3A_702 : i32
        %mul3A_704 = arith.constant 16 : i32
        %mul3A_705 = arith.muli %add3A_703, %mul3A_704 : i32
        %get3A = arith.index_cast %mul3A_705 : i32 to index
        %get3A_706 = tpu.vector_load %arg7[%get3A] {strides = array<i32>} : memref<16384xf32, #tpu.memory_space<vmem>>, vector<16xf32>,
        %get3A_707 = arith.index_cast %mul3A_705 : i32 to index
        %get3A_708 = tpu.vector_load %arg8[%get3A_707] {strides = array<i32>} : memref<16384xf32, #tpu.memory_space<vmem>>, vector<16xf32>,
        %max3A_709 = arith.maximumf %scan3A_694, %get3A_706 : vector<16xf32>
        %min3A_710 = arith.minimumf %scan3A_694, %get3A_706 : vector<16xf32>
        %max3A_711 = arith.maximumf %scan3A_695, %min3A_710 : vector<16xf32>
        %min3A_712 = arith.minimumf %scan3A_695, %min3A_710 : vector<16xf32>
        %max3A_713 = arith.maximumf %scan3A_696, %min3A_712 : vector<16xf32>
        %max3A_714 = arith.maximumf %scan3A_697, %get3A_708 : vector<16xf32>
        %min3A_715 = arith.minimumf %scan3A_697, %get3A_708 : vector<16xf32>
        %max3A_716 = arith.maximumf %scan3A_698, %min3A_715 : vector<16xf32>
        %min3A_717 = arith.minimumf %scan3A_698, %min3A_715 : vector<16xf32>
        %max3A_718 = arith.maximumf %scan3A_699, %min3A_717 : vector<16xf32>
        %mul3A_719 = arith.constant 8 : i32
        %mul3A_720 = arith.muli %scan3A_693, %mul3A_719 : i32
        %add3A_721 = arith.constant 1 : i32
        %add3A_722 = arith.addi %mul3A_720, %add3A_721 : i32
        %mul3A_723 = arith.constant 16 : i32
        %mul3A_724 = arith.muli %add3A_722, %mul3A_723 : i32
        %get3A_725 = arith.index_cast %mul3A_724 : i32 to index
        %get3A_726 = tpu.vector_load %arg7[%get3A_725] {strides = array<i32>} : memref<16384xf32, #tpu.memory_space<vmem>>, vector<16xf32>,
        %get3A_727 = arith.index_cast %mul3A_724 : i32 to index
        %get3A_728 = tpu.vector_load %arg8[%get3A_727] {strides = array<i32>} : memref<16384xf32, #tpu.memory_space<vmem>>, vector<16xf32>,
        %max3A_729 = arith.maximumf %max3A_709, %get3A_726 : vector<16xf32>
        %min3A_730 = arith.minimumf %max3A_709, %get3A_726 : vector<16xf32>
        %max3A_731 = arith.maximumf %max3A_711, %min3A_730 : vector<16xf32>
        %min3A_732 = arith.minimumf %max3A_711, %min3A_730 : vector<16xf32>
        %max3A_733 = arith.maximumf %max3A_713, %min3A_732 : vector<16xf32>
        %max3A_734 = arith.maximumf %max3A_714, %get3A_728 : vector<16xf32>
        %min3A_735 = arith.minimumf %max3A_714, %get3A_728 : vector<16xf32>
        %max3A_736 = arith.maximumf %max3A_716, %min3A_735 : vector<16xf32>
        %min3A_737 = arith.minimumf %max3A_716, %min3A_735 : vector<16xf32>
        %max3A_738 = arith.maximumf %max3A_718, %min3A_737 : vector<16xf32>
        %mul3A_739 = arith.constant 8 : i32
        %mul3A_740 = arith.muli %scan3A_693, %mul3A_739 : i32
        %add3A_741 = arith.constant 2 : i32
        %add3A_742 = arith.addi %mul3A_740, %add3A_741 : i32
        %mul3A_743 = arith.constant 16 : i32
        %mul3A_744 = arith.muli %add3A_742, %mul3A_743 : i32
        %get3A_745 = arith.index_cast %mul3A_744 : i32 to index
        %get3A_746 = tpu.vector_load %arg7[%get3A_745] {strides = array<i32>} : memref<16384xf32, #tpu.memory_space<vmem>>, vector<16xf32>,
        %get3A_747 = arith.index_cast %mul3A_744 : i32 to index
        %get3A_748 = tpu.vector_load %arg8[%get3A_747] {strides = array<i32>} : memref<16384xf32, #tpu.memory_space<vmem>>, vector<16xf32>,
        %max3A_749 = arith.maximumf %max3A_729, %get3A_746 : vector<16xf32>
        %min3A_750 = arith.minimumf %max3A_729, %get3A_746 : vector<16xf32>
        %max3A_751 = arith.maximumf %max3A_731, %min3A_750 : vector<16xf32>
        %min3A_752 = arith.minimumf %max3A_731, %min3A_750 : vector<16xf32>
        %max3A_753 = arith.maximumf %max3A_733, %min3A_752 : vector<16xf32>
        %max3A_754 = arith.maximumf %max3A_734, %get3A_748 : vector<16xf32>
        %min3A_755 = arith.minimumf %max3A_734, %get3A_748 : vector<16xf32>
        %max3A_756 = arith.maximumf %max3A_736, %min3A_755 : vector<16xf32>
        %min3A_757 = arith.minimumf %max3A_736, %min3A_755 : vector<16xf32>
        %max3A_758 = arith.maximumf %max3A_738, %min3A_757 : vector<16xf32>
        %mul3A_759 = arith.constant 8 : i32
        %mul3A_760 = arith.muli %scan3A_693, %mul3A_759 : i32
        %add3A_761 = arith.constant 3 : i32
        %add3A_762 = arith.addi %mul3A_760, %add3A_761 : i32
        %mul3A_763 = arith.constant 16 : i32
        %mul3A_764 = arith.muli %add3A_762, %mul3A_763 : i32
        %get3A_765 = arith.index_cast %mul3A_764 : i32 to index
        %get3A_766 = tpu.vector_load %arg7[%get3A_765] {strides = array<i32>} : memref<16384xf32, #tpu.memory_space<vmem>>, vector<16xf32>,
        %get3A_767 = arith.index_cast %mul3A_764 : i32 to index
        %get3A_768 = tpu.vector_load %arg8[%get3A_767] {strides = array<i32>} : memref<16384xf32, #tpu.memory_space<vmem>>, vector<16xf32>,
        %max3A_769 = arith.maximumf %max3A_749, %get3A_766 : vector<16xf32>
        %min3A_770 = arith.minimumf %max3A_749, %get3A_766 : vector<16xf32>
        %max3A_771 = arith.maximumf %max3A_751, %min3A_770 : vector<16xf32>
        %min3A_772 = arith.minimumf %max3A_751, %min3A_770 : vector<16xf32>
        %max3A_773 = arith.maximumf %max3A_753, %min3A_772 : vector<16xf32>
        %max3A_774 = arith.maximumf %max3A_754, %get3A_768 : vector<16xf32>
        %min3A_775 = arith.minimumf %max3A_754, %get3A_768 : vector<16xf32>
        %max3A_776 = arith.maximumf %max3A_756, %min3A_775 : vector<16xf32>
        %min3A_777 = arith.minimumf %max3A_756, %min3A_775 : vector<16xf32>
        %max3A_778 = arith.maximumf %max3A_758, %min3A_777 : vector<16xf32>
        %mul3A_779 = arith.constant 8 : i32
        %mul3A_780 = arith.muli %scan3A_693, %mul3A_779 : i32
        %add3A_781 = arith.constant 4 : i32
        %add3A_782 = arith.addi %mul3A_780, %add3A_781 : i32
        %mul3A_783 = arith.constant 16 : i32
        %mul3A_784 = arith.muli %add3A_782, %mul3A_783 : i32
        %get3A_785 = arith.index_cast %mul3A_784 : i32 to index
        %get3A_786 = tpu.vector_load %arg7[%get3A_785] {strides = array<i32>} : memref<16384xf32, #tpu.memory_space<vmem>>, vector<16xf32>,
        %get3A_787 = arith.index_cast %mul3A_784 : i32 to index
        %get3A_788 = tpu.vector_load %arg8[%get3A_787] {strides = array<i32>} : memref<16384xf32, #tpu.memory_space<vmem>>, vector<16xf32>,
        %max3A_789 = arith.maximumf %max3A_769, %get3A_786 : vector<16xf32>
        %min3A_790 = arith.minimumf %max3A_769, %get3A_786 : vector<16xf32>
        %max3A_791 = arith.maximumf %max3A_771, %min3A_790 : vector<16xf32>
        %min3A_792 = arith.minimumf %max3A_771, %min3A_790 : vector<16xf32>
        %max3A_793 = arith.maximumf %max3A_773, %min3A_792 : vector<16xf32>
        %max3A_794 = arith.maximumf %max3A_774, %get3A_788 : vector<16xf32>
        %min3A_795 = arith.minimumf %max3A_774, %get3A_788 : vector<16xf32>
        %max3A_796 = arith.maximumf %max3A_776, %min3A_795 : vector<16xf32>
        %min3A_797 = arith.minimumf %max3A_776, %min3A_795 : vector<16xf32>
        %max3A_798 = arith.maximumf %max3A_778, %min3A_797 : vector<16xf32>
        %mul3A_799 = arith.constant 8 : i32
        %mul3A_800 = arith.muli %scan3A_693, %mul3A_799 : i32
        %add3A_801 = arith.constant 5 : i32
        %add3A_802 = arith.addi %mul3A_800, %add3A_801 : i32
        %mul3A_803 = arith.constant 16 : i32
        %mul3A_804 = arith.muli %add3A_802, %mul3A_803 : i32
        %get3A_805 = arith.index_cast %mul3A_804 : i32 to index
        %get3A_806 = tpu.vector_load %arg7[%get3A_805] {strides = array<i32>} : memref<16384xf32, #tpu.memory_space<vmem>>, vector<16xf32>,
        %get3A_807 = arith.index_cast %mul3A_804 : i32 to index
        %get3A_808 = tpu.vector_load %arg8[%get3A_807] {strides = array<i32>} : memref<16384xf32, #tpu.memory_space<vmem>>, vector<16xf32>,
        %max3A_809 = arith.maximumf %max3A_789, %get3A_806 : vector<16xf32>
        %min3A_810 = arith.minimumf %max3A_789, %get3A_806 : vector<16xf32>
        %max3A_811 = arith.maximumf %max3A_791, %min3A_810 : vector<16xf32>
        %min3A_812 = arith.minimumf %max3A_791, %min3A_810 : vector<16xf32>
        %max3A_813 = arith.maximumf %max3A_793, %min3A_812 : vector<16xf32>
        %max3A_814 = arith.maximumf %max3A_794, %get3A_808 : vector<16xf32>
        %min3A_815 = arith.minimumf %max3A_794, %get3A_808 : vector<16xf32>
        %max3A_816 = arith.maximumf %max3A_796, %min3A_815 : vector<16xf32>
        %min3A_817 = arith.minimumf %max3A_796, %min3A_815 : vector<16xf32>
        %max3A_818 = arith.maximumf %max3A_798, %min3A_817 : vector<16xf32>
        %mul3A_819 = arith.constant 8 : i32
        %mul3A_820 = arith.muli %scan3A_693, %mul3A_819 : i32
        %add3A_821 = arith.constant 6 : i32
        %add3A_822 = arith.addi %mul3A_820, %add3A_821 : i32
        %mul3A_823 = arith.constant 16 : i32
        %mul3A_824 = arith.muli %add3A_822, %mul3A_823 : i32
        %get3A_825 = arith.index_cast %mul3A_824 : i32 to index
        %get3A_826 = tpu.vector_load %arg7[%get3A_825] {strides = array<i32>} : memref<16384xf32, #tpu.memory_space<vmem>>, vector<16xf32>,
        %get3A_827 = arith.index_cast %mul3A_824 : i32 to index
        %get3A_828 = tpu.vector_load %arg8[%get3A_827] {strides = array<i32>} : memref<16384xf32, #tpu.memory_space<vmem>>, vector<16xf32>,
        %max3A_829 = arith.maximumf %max3A_809, %get3A_826 : vector<16xf32>
        %min3A_830 = arith.minimumf %max3A_809, %get3A_826 : vector<16xf32>
        %max3A_831 = arith.maximumf %max3A_811, %min3A_830 : vector<16xf32>
        %min3A_832 = arith.minimumf %max3A_811, %min3A_830 : vector<16xf32>
        %max3A_833 = arith.maximumf %max3A_813, %min3A_832 : vector<16xf32>
        %max3A_834 = arith.maximumf %max3A_814, %get3A_828 : vector<16xf32>
        %min3A_835 = arith.minimumf %max3A_814, %get3A_828 : vector<16xf32>
        %max3A_836 = arith.maximumf %max3A_816, %min3A_835 : vector<16xf32>
        %min3A_837 = arith.minimumf %max3A_816, %min3A_835 : vector<16xf32>
        %max3A_838 = arith.maximumf %max3A_818, %min3A_837 : vector<16xf32>
        %mul3A_839 = arith.constant 8 : i32
        %mul3A_840 = arith.muli %scan3A_693, %mul3A_839 : i32
        %add3A_841 = arith.constant 7 : i32
        %add3A_842 = arith.addi %mul3A_840, %add3A_841 : i32
        %mul3A_843 = arith.constant 16 : i32
        %mul3A_844 = arith.muli %add3A_842, %mul3A_843 : i32
        %get3A_845 = arith.index_cast %mul3A_844 : i32 to index
        %get3A_846 = tpu.vector_load %arg7[%get3A_845] {strides = array<i32>} : memref<16384xf32, #tpu.memory_space<vmem>>, vector<16xf32>,
        %get3A_847 = arith.index_cast %mul3A_844 : i32 to index
        %get3A_848 = tpu.vector_load %arg8[%get3A_847] {strides = array<i32>} : memref<16384xf32, #tpu.memory_space<vmem>>, vector<16xf32>,
        %max3A_849 = arith.maximumf %max3A_829, %get3A_846 : vector<16xf32>
        %min3A_850 = arith.minimumf %max3A_829, %get3A_846 : vector<16xf32>
        %max3A_851 = arith.maximumf %max3A_831, %min3A_850 : vector<16xf32>
        %min3A_852 = arith.minimumf %max3A_831, %min3A_850 : vector<16xf32>
        %max3A_853 = arith.maximumf %max3A_833, %min3A_852 : vector<16xf32>
        %max3A_854 = arith.maximumf %max3A_834, %get3A_848 : vector<16xf32>
        %min3A_855 = arith.minimumf %max3A_834, %get3A_848 : vector<16xf32>
        %max3A_856 = arith.maximumf %max3A_836, %min3A_855 : vector<16xf32>
        %min3A_857 = arith.minimumf %max3A_836, %min3A_855 : vector<16xf32>
        %max3A_858 = arith.maximumf %max3A_838, %min3A_857 : vector<16xf32>
        scf.yield %max3A_849, %max3A_851, %max3A_853, %max3A_854, %max3A_856, %max3A_858 : vector<16xf32>, vector<16xf32>, vector<16xf32>, vector<16xf32>, vector<16xf32>, vector<16xf32>
      }
      %scan3A_78 = arith.constant 128 : i32
      %add3A_79 = arith.constant 1 : i32
      %add3A_80 = arith.addi %scan3A_37, %add3A_79 : i32
      %lt3A_81 = arith.constant 3 : i32
      %lt3A_82 = arith.cmpi slt, %add3A_80, %lt3A_81 : i32
      %convert_element_type3A_83 = arith.extui %lt3A_82 : i1 to i32
      %cond3A_84 = arith.constant 0 : i32
      %cond3A_85 = arith.cmpi ne, %convert_element_type3A_83, %cond3A_84 : i32
      scf.if %cond3A_85 {
        %add3A_693 = arith.constant 1 : i32
        %add3A_694 = arith.addi %add3A_39, %add3A_693 : i32
        %dma_start3A_695 = arith.constant 16384 : i32
        %dma_start3A_696 = tpu.memref_slice %arg2[%add3A_694, %dma_start3A_695] : memref<128x32768xf32, #tpu.memory_space<hbm>> -> memref<1x16384xf32, #tpu.memory_space<hbm>>
        %dma_start3A_697 = tpu.memref_squeeze %dma_start3A_696 : memref<1x16384xf32, #tpu.memory_space<hbm>> -> memref<16384xf32, #tpu.memory_space<hbm>>
        %dma_start3A_698 = arith.constant 16384 : i32
        %dma_start3A_699 = tpu.memref_slice %arg2[%add3A_694, %dma_start3A_698] : memref<128x32768xf32, #tpu.memory_space<hbm>> -> memref<1x16384xf32, #tpu.memory_space<hbm>>
        %dma_start3A_700 = tpu.memref_squeeze %dma_start3A_699 : memref<1x16384xf32, #tpu.memory_space<hbm>> -> memref<16384xf32, #tpu.memory_space<hbm>>
        tpu.enqueue_dma source(%dma_start3A_700 : memref<16384xf32, #tpu.memory_space<hbm>>) target(%arg7 : memref<16384xf32, #tpu.memory_space<vmem>>) target_semaphore(%arg11 : memref<!tpu.dma_semaphore, #tpu.memory_space<semaphore_mem>>)
        %dma_start3A_701 = arith.constant 16384 : i32
        %dma_start3A_702 = tpu.memref_slice %arg3[%add3A_694, %dma_start3A_701] : memref<128x32768xf32, #tpu.memory_space<hbm>> -> memref<1x16384xf32, #tpu.memory_space<hbm>>
        %dma_start3A_703 = tpu.memref_squeeze %dma_start3A_702 : memref<1x16384xf32, #tpu.memory_space<hbm>> -> memref<16384xf32, #tpu.memory_space<hbm>>
        %dma_start3A_704 = arith.constant 16384 : i32
        %dma_start3A_705 = tpu.memref_slice %arg3[%add3A_694, %dma_start3A_704] : memref<128x32768xf32, #tpu.memory_space<hbm>> -> memref<1x16384xf32, #tpu.memory_space<hbm>>
        %dma_start3A_706 = tpu.memref_squeeze %dma_start3A_705 : memref<1x16384xf32, #tpu.memory_space<hbm>> -> memref<16384xf32, #tpu.memory_space<hbm>>
        tpu.enqueue_dma source(%dma_start3A_706 : memref<16384xf32, #tpu.memory_space<hbm>>) target(%arg8 : memref<16384xf32, #tpu.memory_space<vmem>>) target_semaphore(%arg11 : memref<!tpu.dma_semaphore, #tpu.memory_space<semaphore_mem>>)
      } else {
      }
      %iota3A = tpu.iota {dimensions = array<i32: 0>} : vector<16xi32>
      %xor3A = arith.constant 8 : i32
      %xor3A_86 = vector.broadcast %xor3A : i32 to vector<16xi32>
      %xor3A_87 = arith.xori %iota3A, %xor3A_86 : vector<16xi32>
      %lt3A_88 = arith.constant 0 : i32
      %lt3A_89 = vector.broadcast %lt3A_88 : i32 to vector<16xi32>
      %lt3A_90 = arith.cmpi slt, %xor3A_87, %lt3A_89 : vector<16xi32>
      %add3A_91 = arith.constant 16 : i32
      %add3A_92 = vector.broadcast %add3A_91 : i32 to vector<16xi32>
      %add3A_93 = arith.addi %xor3A_87, %add3A_92 : vector<16xi32>
      %select_n3A = arith.select %lt3A_90, %add3A_93, %xor3A_87 : vector<16xi1>, vector<16xi32>
      %reshape3A = vector.shape_cast %select_n3A : vector<16xi32> to vector<16x1xi32>
      %gather3A = vector.shape_cast %reshape3A : vector<16x1xi32> to vector<16xi32>
      %gather3A_94 = tpu.dynamic_gather %scan3A_77#0[%gather3A] in [0] : vector<16xf32>, vector<16xi32> -> vector<16xf32>
      %max3A = arith.maximumf %scan3A_77#0, %gather3A_94 : vector<16xf32>
      %xor3A_95 = arith.constant 4 : i32
      %xor3A_96 = vector.broadcast %xor3A_95 : i32 to vector<16xi32>
      %xor3A_97 = arith.xori %iota3A, %xor3A_96 : vector<16xi32>
      %lt3A_98 = arith.constant 0 : i32
      %lt3A_99 = vector.broadcast %lt3A_98 : i32 to vector<16xi32>
      %lt3A_100 = arith.cmpi slt, %xor3A_97, %lt3A_99 : vector<16xi32>
      %add3A_101 = arith.constant 16 : i32
      %add3A_102 = vector.broadcast %add3A_101 : i32 to vector<16xi32>
      %add3A_103 = arith.addi %xor3A_97, %add3A_102 : vector<16xi32>
      %select_n3A_104 = arith.select %lt3A_100, %add3A_103, %xor3A_97 : vector<16xi1>, vector<16xi32>
      %reshape3A_105 = vector.shape_cast %select_n3A_104 : vector<16xi32> to vector<16x1xi32>
      %gather3A_106 = vector.shape_cast %reshape3A_105 : vector<16x1xi32> to vector<16xi32>
      %gather3A_107 = tpu.dynamic_gather %max3A[%gather3A_106] in [0] : vector<16xf32>, vector<16xi32> -> vector<16xf32>
      %max3A_108 = arith.maximumf %max3A, %gather3A_107 : vector<16xf32>
      %xor3A_109 = arith.constant 2 : i32
      %xor3A_110 = vector.broadcast %xor3A_109 : i32 to vector<16xi32>
      %xor3A_111 = arith.xori %iota3A, %xor3A_110 : vector<16xi32>
      %lt3A_112 = arith.constant 0 : i32
      %lt3A_113 = vector.broadcast %lt3A_112 : i32 to vector<16xi32>
      %lt3A_114 = arith.cmpi slt, %xor3A_111, %lt3A_113 : vector<16xi32>
      %add3A_115 = arith.constant 16 : i32
      %add3A_116 = vector.broadcast %add3A_115 : i32 to vector<16xi32>
      %add3A_117 = arith.addi %xor3A_111, %add3A_116 : vector<16xi32>
      %select_n3A_118 = arith.select %lt3A_114, %add3A_117, %xor3A_111 : vector<16xi1>, vector<16xi32>
      %reshape3A_119 = vector.shape_cast %select_n3A_118 : vector<16xi32> to vector<16x1xi32>
      %gather3A_120 = vector.shape_cast %reshape3A_119 : vector<16x1xi32> to vector<16xi32>
      %gather3A_121 = tpu.dynamic_gather %max3A_108[%gather3A_120] in [0] : vector<16xf32>, vector<16xi32> -> vector<16xf32>
      %max3A_122 = arith.maximumf %max3A_108, %gather3A_121 : vector<16xf32>
      %xor3A_123 = arith.constant 1 : i32
      %xor3A_124 = vector.broadcast %xor3A_123 : i32 to vector<16xi32>
      %xor3A_125 = arith.xori %iota3A, %xor3A_124 : vector<16xi32>
      %lt3A_126 = arith.constant 0 : i32
      %lt3A_127 = vector.broadcast %lt3A_126 : i32 to vector<16xi32>
      %lt3A_128 = arith.cmpi slt, %xor3A_125, %lt3A_127 : vector<16xi32>
      %add3A_129 = arith.constant 16 : i32
      %add3A_130 = vector.broadcast %add3A_129 : i32 to vector<16xi32>
      %add3A_131 = arith.addi %xor3A_125, %add3A_130 : vector<16xi32>
      %select_n3A_132 = arith.select %lt3A_128, %add3A_131, %xor3A_125 : vector<16xi1>, vector<16xi32>
      %reshape3A_133 = vector.shape_cast %select_n3A_132 : vector<16xi32> to vector<16x1xi32>
      %gather3A_134 = vector.shape_cast %reshape3A_133 : vector<16x1xi32> to vector<16xi32>
      %gather3A_135 = tpu.dynamic_gather %max3A_122[%gather3A_134] in [0] : vector<16xf32>, vector<16xi32> -> vector<16xf32>
      %max3A_136 = arith.maximumf %max3A_122, %gather3A_135 : vector<16xf32>
      %iota3A_137 = tpu.iota {dimensions = array<i32: 0>} : vector<16xi32>
      %eq3A = arith.cmpf oeq, %scan3A_77#0, %max3A_136 : vector<16xf32>
      %jit3A = arith.constant 16 : i32
      %broadcast_in_dim3A_138 = vector.broadcast %jit3A : i32 to vector<16xi32>
      %select_n3A_139 = arith.select %eq3A, %iota3A_137, %broadcast_in_dim3A_138 : vector<16xi1>, vector<16xi32>
      %iota3A_140 = tpu.iota {dimensions = array<i32: 0>} : vector<16xi32>
      %xor3A_141 = arith.constant 8 : i32
      %xor3A_142 = vector.broadcast %xor3A_141 : i32 to vector<16xi32>
      %xor3A_143 = arith.xori %iota3A_140, %xor3A_142 : vector<16xi32>
      %lt3A_144 = arith.constant 0 : i32
      %lt3A_145 = vector.broadcast %lt3A_144 : i32 to vector<16xi32>
      %lt3A_146 = arith.cmpi slt, %xor3A_143, %lt3A_145 : vector<16xi32>
      %add3A_147 = arith.constant 16 : i32
      %add3A_148 = vector.broadcast %add3A_147 : i32 to vector<16xi32>
      %add3A_149 = arith.addi %xor3A_143, %add3A_148 : vector<16xi32>
      %select_n3A_150 = arith.select %lt3A_146, %add3A_149, %xor3A_143 : vector<16xi1>, vector<16xi32>
      %reshape3A_151 = vector.shape_cast %select_n3A_150 : vector<16xi32> to vector<16x1xi32>
      %gather3A_152 = vector.shape_cast %reshape3A_151 : vector<16x1xi32> to vector<16xi32>
      %gather3A_153 = tpu.dynamic_gather %select_n3A_139[%gather3A_152] in [0] : vector<16xi32>, vector<16xi32> -> vector<16xi32>
      %min3A = arith.minsi %select_n3A_139, %gather3A_153 : vector<16xi32>
      %xor3A_154 = arith.constant 4 : i32
      %xor3A_155 = vector.broadcast %xor3A_154 : i32 to vector<16xi32>
      %xor3A_156 = arith.xori %iota3A_140, %xor3A_155 : vector<16xi32>
      %lt3A_157 = arith.constant 0 : i32
      %lt3A_158 = vector.broadcast %lt3A_157 : i32 to vector<16xi32>
      %lt3A_159 = arith.cmpi slt, %xor3A_156, %lt3A_158 : vector<16xi32>
      %add3A_160 = arith.constant 16 : i32
      %add3A_161 = vector.broadcast %add3A_160 : i32 to vector<16xi32>
      %add3A_162 = arith.addi %xor3A_156, %add3A_161 : vector<16xi32>
      %select_n3A_163 = arith.select %lt3A_159, %add3A_162, %xor3A_156 : vector<16xi1>, vector<16xi32>
      %reshape3A_164 = vector.shape_cast %select_n3A_163 : vector<16xi32> to vector<16x1xi32>
      %gather3A_165 = vector.shape_cast %reshape3A_164 : vector<16x1xi32> to vector<16xi32>
      %gather3A_166 = tpu.dynamic_gather %min3A[%gather3A_165] in [0] : vector<16xi32>, vector<16xi32> -> vector<16xi32>
      %min3A_167 = arith.minsi %min3A, %gather3A_166 : vector<16xi32>
      %xor3A_168 = arith.constant 2 : i32
      %xor3A_169 = vector.broadcast %xor3A_168 : i32 to vector<16xi32>
      %xor3A_170 = arith.xori %iota3A_140, %xor3A_169 : vector<16xi32>
      %lt3A_171 = arith.constant 0 : i32
      %lt3A_172 = vector.broadcast %lt3A_171 : i32 to vector<16xi32>
      %lt3A_173 = arith.cmpi slt, %xor3A_170, %lt3A_172 : vector<16xi32>
      %add3A_174 = arith.constant 16 : i32
      %add3A_175 = vector.broadcast %add3A_174 : i32 to vector<16xi32>
      %add3A_176 = arith.addi %xor3A_170, %add3A_175 : vector<16xi32>
      %select_n3A_177 = arith.select %lt3A_173, %add3A_176, %xor3A_170 : vector<16xi1>, vector<16xi32>
      %reshape3A_178 = vector.shape_cast %select_n3A_177 : vector<16xi32> to vector<16x1xi32>
      %gather3A_179 = vector.shape_cast %reshape3A_178 : vector<16x1xi32> to vector<16xi32>
      %gather3A_180 = tpu.dynamic_gather %min3A_167[%gather3A_179] in [0] : vector<16xi32>, vector<16xi32> -> vector<16xi32>
      %min3A_181 = arith.minsi %min3A_167, %gather3A_180 : vector<16xi32>
      %xor3A_182 = arith.constant 1 : i32
      %xor3A_183 = vector.broadcast %xor3A_182 : i32 to vector<16xi32>
      %xor3A_184 = arith.xori %iota3A_140, %xor3A_183 : vector<16xi32>
      %lt3A_185 = arith.constant 0 : i32
      %lt3A_186 = vector.broadcast %lt3A_185 : i32 to vector<16xi32>
      %lt3A_187 = arith.cmpi slt, %xor3A_184, %lt3A_186 : vector<16xi32>
      %add3A_188 = arith.constant 16 : i32
      %add3A_189 = vector.broadcast %add3A_188 : i32 to vector<16xi32>
      %add3A_190 = arith.addi %xor3A_184, %add3A_189 : vector<16xi32>
      %select_n3A_191 = arith.select %lt3A_187, %add3A_190, %xor3A_184 : vector<16xi1>, vector<16xi32>
      %reshape3A_192 = vector.shape_cast %select_n3A_191 : vector<16xi32> to vector<16x1xi32>
      %gather3A_193 = vector.shape_cast %reshape3A_192 : vector<16x1xi32> to vector<16xi32>
      %gather3A_194 = tpu.dynamic_gather %min3A_181[%gather3A_193] in [0] : vector<16xi32>, vector<16xi32> -> vector<16xi32>
      %min3A_195 = arith.minsi %min3A_181, %gather3A_194 : vector<16xi32>
      %eq3A_196 = arith.cmpi eq, %iota3A_137, %min3A_195 : vector<16xi32>
      %select_n3A_197 = arith.select %eq3A_196, %scan3A_77#1, %scan3A_77#0 : vector<16xi1>, vector<16xf32>
      %select_n3A_198 = arith.select %eq3A_196, %scan3A_77#2, %scan3A_77#1 : vector<16xi1>, vector<16xf32>
      %iota3A_199 = tpu.iota {dimensions = array<i32: 0>} : vector<16xi32>
      %xor3A_200 = arith.constant 8 : i32
      %xor3A_201 = vector.broadcast %xor3A_200 : i32 to vector<16xi32>
      %xor3A_202 = arith.xori %iota3A_199, %xor3A_201 : vector<16xi32>
      %lt3A_203 = arith.constant 0 : i32
      %lt3A_204 = vector.broadcast %lt3A_203 : i32 to vector<16xi32>
      %lt3A_205 = arith.cmpi slt, %xor3A_202, %lt3A_204 : vector<16xi32>
      %add3A_206 = arith.constant 16 : i32
      %add3A_207 = vector.broadcast %add3A_206 : i32 to vector<16xi32>
      %add3A_208 = arith.addi %xor3A_202, %add3A_207 : vector<16xi32>
      %select_n3A_209 = arith.select %lt3A_205, %add3A_208, %xor3A_202 : vector<16xi1>, vector<16xi32>
      %reshape3A_210 = vector.shape_cast %select_n3A_209 : vector<16xi32> to vector<16x1xi32>
      %gather3A_211 = vector.shape_cast %reshape3A_210 : vector<16x1xi32> to vector<16xi32>
      %gather3A_212 = tpu.dynamic_gather %select_n3A_197[%gather3A_211] in [0] : vector<16xf32>, vector<16xi32> -> vector<16xf32>
      %max3A_213 = arith.maximumf %select_n3A_197, %gather3A_212 : vector<16xf32>
      %xor3A_214 = arith.constant 4 : i32
      %xor3A_215 = vector.broadcast %xor3A_214 : i32 to vector<16xi32>
      %xor3A_216 = arith.xori %iota3A_199, %xor3A_215 : vector<16xi32>
      %lt3A_217 = arith.constant 0 : i32
      %lt3A_218 = vector.broadcast %lt3A_217 : i32 to vector<16xi32>
      %lt3A_219 = arith.cmpi slt, %xor3A_216, %lt3A_218 : vector<16xi32>
      %add3A_220 = arith.constant 16 : i32
      %add3A_221 = vector.broadcast %add3A_220 : i32 to vector<16xi32>
      %add3A_222 = arith.addi %xor3A_216, %add3A_221 : vector<16xi32>
      %select_n3A_223 = arith.select %lt3A_219, %add3A_222, %xor3A_216 : vector<16xi1>, vector<16xi32>
      %reshape3A_224 = vector.shape_cast %select_n3A_223 : vector<16xi32> to vector<16x1xi32>
      %gather3A_225 = vector.shape_cast %reshape3A_224 : vector<16x1xi32> to vector<16xi32>
      %gather3A_226 = tpu.dynamic_gather %max3A_213[%gather3A_225] in [0] : vector<16xf32>, vector<16xi32> -> vector<16xf32>
      %max3A_227 = arith.maximumf %max3A_213, %gather3A_226 : vector<16xf32>
      %xor3A_228 = arith.constant 2 : i32
      %xor3A_229 = vector.broadcast %xor3A_228 : i32 to vector<16xi32>
      %xor3A_230 = arith.xori %iota3A_199, %xor3A_229 : vector<16xi32>
      %lt3A_231 = arith.constant 0 : i32
      %lt3A_232 = vector.broadcast %lt3A_231 : i32 to vector<16xi32>
      %lt3A_233 = arith.cmpi slt, %xor3A_230, %lt3A_232 : vector<16xi32>
      %add3A_234 = arith.constant 16 : i32
      %add3A_235 = vector.broadcast %add3A_234 : i32 to vector<16xi32>
      %add3A_236 = arith.addi %xor3A_230, %add3A_235 : vector<16xi32>
      %select_n3A_237 = arith.select %lt3A_233, %add3A_236, %xor3A_230 : vector<16xi1>, vector<16xi32>
      %reshape3A_238 = vector.shape_cast %select_n3A_237 : vector<16xi32> to vector<16x1xi32>
      %gather3A_239 = vector.shape_cast %reshape3A_238 : vector<16x1xi32> to vector<16xi32>
      %gather3A_240 = tpu.dynamic_gather %max3A_227[%gather3A_239] in [0] : vector<16xf32>, vector<16xi32> -> vector<16xf32>
      %max3A_241 = arith.maximumf %max3A_227, %gather3A_240 : vector<16xf32>
      %xor3A_242 = arith.constant 1 : i32
      %xor3A_243 = vector.broadcast %xor3A_242 : i32 to vector<16xi32>
      %xor3A_244 = arith.xori %iota3A_199, %xor3A_243 : vector<16xi32>
      %lt3A_245 = arith.constant 0 : i32
      %lt3A_246 = vector.broadcast %lt3A_245 : i32 to vector<16xi32>
      %lt3A_247 = arith.cmpi slt, %xor3A_244, %lt3A_246 : vector<16xi32>
      %add3A_248 = arith.constant 16 : i32
      %add3A_249 = vector.broadcast %add3A_248 : i32 to vector<16xi32>
      %add3A_250 = arith.addi %xor3A_244, %add3A_249 : vector<16xi32>
      %select_n3A_251 = arith.select %lt3A_247, %add3A_250, %xor3A_244 : vector<16xi1>, vector<16xi32>
      %reshape3A_252 = vector.shape_cast %select_n3A_251 : vector<16xi32> to vector<16x1xi32>
      %gather3A_253 = vector.shape_cast %reshape3A_252 : vector<16x1xi32> to vector<16xi32>
      %gather3A_254 = tpu.dynamic_gather %max3A_241[%gather3A_253] in [0] : vector<16xf32>, vector<16xi32> -> vector<16xf32>
      %max3A_255 = arith.maximumf %max3A_241, %gather3A_254 : vector<16xf32>
      %iota3A_256 = tpu.iota {dimensions = array<i32: 0>} : vector<16xi32>
      %eq3A_257 = arith.cmpf oeq, %select_n3A_197, %max3A_255 : vector<16xf32>
      %jit3A_258 = arith.constant 16 : i32
      %broadcast_in_dim3A_259 = vector.broadcast %jit3A_258 : i32 to vector<16xi32>
      %select_n3A_260 = arith.select %eq3A_257, %iota3A_256, %broadcast_in_dim3A_259 : vector<16xi1>, vector<16xi32>
      %iota3A_261 = tpu.iota {dimensions = array<i32: 0>} : vector<16xi32>
      %xor3A_262 = arith.constant 8 : i32
      %xor3A_263 = vector.broadcast %xor3A_262 : i32 to vector<16xi32>
      %xor3A_264 = arith.xori %iota3A_261, %xor3A_263 : vector<16xi32>
      %lt3A_265 = arith.constant 0 : i32
      %lt3A_266 = vector.broadcast %lt3A_265 : i32 to vector<16xi32>
      %lt3A_267 = arith.cmpi slt, %xor3A_264, %lt3A_266 : vector<16xi32>
      %add3A_268 = arith.constant 16 : i32
      %add3A_269 = vector.broadcast %add3A_268 : i32 to vector<16xi32>
      %add3A_270 = arith.addi %xor3A_264, %add3A_269 : vector<16xi32>
      %select_n3A_271 = arith.select %lt3A_267, %add3A_270, %xor3A_264 : vector<16xi1>, vector<16xi32>
      %reshape3A_272 = vector.shape_cast %select_n3A_271 : vector<16xi32> to vector<16x1xi32>
      %gather3A_273 = vector.shape_cast %reshape3A_272 : vector<16x1xi32> to vector<16xi32>
      %gather3A_274 = tpu.dynamic_gather %select_n3A_260[%gather3A_273] in [0] : vector<16xi32>, vector<16xi32> -> vector<16xi32>
      %min3A_275 = arith.minsi %select_n3A_260, %gather3A_274 : vector<16xi32>
      %xor3A_276 = arith.constant 4 : i32
      %xor3A_277 = vector.broadcast %xor3A_276 : i32 to vector<16xi32>
      %xor3A_278 = arith.xori %iota3A_261, %xor3A_277 : vector<16xi32>
      %lt3A_279 = arith.constant 0 : i32
      %lt3A_280 = vector.broadcast %lt3A_279 : i32 to vector<16xi32>
      %lt3A_281 = arith.cmpi slt, %xor3A_278, %lt3A_280 : vector<16xi32>
      %add3A_282 = arith.constant 16 : i32
      %add3A_283 = vector.broadcast %add3A_282 : i32 to vector<16xi32>
      %add3A_284 = arith.addi %xor3A_278, %add3A_283 : vector<16xi32>
      %select_n3A_285 = arith.select %lt3A_281, %add3A_284, %xor3A_278 : vector<16xi1>, vector<16xi32>
      %reshape3A_286 = vector.shape_cast %select_n3A_285 : vector<16xi32> to vector<16x1xi32>
      %gather3A_287 = vector.shape_cast %reshape3A_286 : vector<16x1xi32> to vector<16xi32>
      %gather3A_288 = tpu.dynamic_gather %min3A_275[%gather3A_287] in [0] : vector<16xi32>, vector<16xi32> -> vector<16xi32>
      %min3A_289 = arith.minsi %min3A_275, %gather3A_288 : vector<16xi32>
      %xor3A_290 = arith.constant 2 : i32
      %xor3A_291 = vector.broadcast %xor3A_290 : i32 to vector<16xi32>
      %xor3A_292 = arith.xori %iota3A_261, %xor3A_291 : vector<16xi32>
      %lt3A_293 = arith.constant 0 : i32
      %lt3A_294 = vector.broadcast %lt3A_293 : i32 to vector<16xi32>
      %lt3A_295 = arith.cmpi slt, %xor3A_292, %lt3A_294 : vector<16xi32>
      %add3A_296 = arith.constant 16 : i32
      %add3A_297 = vector.broadcast %add3A_296 : i32 to vector<16xi32>
      %add3A_298 = arith.addi %xor3A_292, %add3A_297 : vector<16xi32>
      %select_n3A_299 = arith.select %lt3A_295, %add3A_298, %xor3A_292 : vector<16xi1>, vector<16xi32>
      %reshape3A_300 = vector.shape_cast %select_n3A_299 : vector<16xi32> to vector<16x1xi32>
      %gather3A_301 = vector.shape_cast %reshape3A_300 : vector<16x1xi32> to vector<16xi32>
      %gather3A_302 = tpu.dynamic_gather %min3A_289[%gather3A_301] in [0] : vector<16xi32>, vector<16xi32> -> vector<16xi32>
      %min3A_303 = arith.minsi %min3A_289, %gather3A_302 : vector<16xi32>
      %xor3A_304 = arith.constant 1 : i32
      %xor3A_305 = vector.broadcast %xor3A_304 : i32 to vector<16xi32>
      %xor3A_306 = arith.xori %iota3A_261, %xor3A_305 : vector<16xi32>
      %lt3A_307 = arith.constant 0 : i32
      %lt3A_308 = vector.broadcast %lt3A_307 : i32 to vector<16xi32>
      %lt3A_309 = arith.cmpi slt, %xor3A_306, %lt3A_308 : vector<16xi32>
      %add3A_310 = arith.constant 16 : i32
      %add3A_311 = vector.broadcast %add3A_310 : i32 to vector<16xi32>
      %add3A_312 = arith.addi %xor3A_306, %add3A_311 : vector<16xi32>
      %select_n3A_313 = arith.select %lt3A_309, %add3A_312, %xor3A_306 : vector<16xi1>, vector<16xi32>
      %reshape3A_314 = vector.shape_cast %select_n3A_313 : vector<16xi32> to vector<16x1xi32>
      %gather3A_315 = vector.shape_cast %reshape3A_314 : vector<16x1xi32> to vector<16xi32>
      %gather3A_316 = tpu.dynamic_gather %min3A_303[%gather3A_315] in [0] : vector<16xi32>, vector<16xi32> -> vector<16xi32>
      %min3A_317 = arith.minsi %min3A_303, %gather3A_316 : vector<16xi32>
      %eq3A_318 = arith.cmpi eq, %iota3A_256, %min3A_317 : vector<16xi32>
      %select_n3A_319 = arith.select %eq3A_318, %select_n3A_198, %select_n3A_197 : vector<16xi1>, vector<16xf32>
      %select_n3A_320 = arith.select %eq3A_318, %scan3A_77#2, %select_n3A_198 : vector<16xi1>, vector<16xf32>
      %iota3A_321 = tpu.iota {dimensions = array<i32: 0>} : vector<16xi32>
      %xor3A_322 = arith.constant 8 : i32
      %xor3A_323 = vector.broadcast %xor3A_322 : i32 to vector<16xi32>
      %xor3A_324 = arith.xori %iota3A_321, %xor3A_323 : vector<16xi32>
      %lt3A_325 = arith.constant 0 : i32
      %lt3A_326 = vector.broadcast %lt3A_325 : i32 to vector<16xi32>
      %lt3A_327 = arith.cmpi slt, %xor3A_324, %lt3A_326 : vector<16xi32>
      %add3A_328 = arith.constant 16 : i32
      %add3A_329 = vector.broadcast %add3A_328 : i32 to vector<16xi32>
      %add3A_330 = arith.addi %xor3A_324, %add3A_329 : vector<16xi32>
      %select_n3A_331 = arith.select %lt3A_327, %add3A_330, %xor3A_324 : vector<16xi1>, vector<16xi32>
      %reshape3A_332 = vector.shape_cast %select_n3A_331 : vector<16xi32> to vector<16x1xi32>
      %gather3A_333 = vector.shape_cast %reshape3A_332 : vector<16x1xi32> to vector<16xi32>
      %gather3A_334 = tpu.dynamic_gather %select_n3A_319[%gather3A_333] in [0] : vector<16xf32>, vector<16xi32> -> vector<16xf32>
      %max3A_335 = arith.maximumf %select_n3A_319, %gather3A_334 : vector<16xf32>
      %xor3A_336 = arith.constant 4 : i32
      %xor3A_337 = vector.broadcast %xor3A_336 : i32 to vector<16xi32>
      %xor3A_338 = arith.xori %iota3A_321, %xor3A_337 : vector<16xi32>
      %lt3A_339 = arith.constant 0 : i32
      %lt3A_340 = vector.broadcast %lt3A_339 : i32 to vector<16xi32>
      %lt3A_341 = arith.cmpi slt, %xor3A_338, %lt3A_340 : vector<16xi32>
      %add3A_342 = arith.constant 16 : i32
      %add3A_343 = vector.broadcast %add3A_342 : i32 to vector<16xi32>
      %add3A_344 = arith.addi %xor3A_338, %add3A_343 : vector<16xi32>
      %select_n3A_345 = arith.select %lt3A_341, %add3A_344, %xor3A_338 : vector<16xi1>, vector<16xi32>
      %reshape3A_346 = vector.shape_cast %select_n3A_345 : vector<16xi32> to vector<16x1xi32>
      %gather3A_347 = vector.shape_cast %reshape3A_346 : vector<16x1xi32> to vector<16xi32>
      %gather3A_348 = tpu.dynamic_gather %max3A_335[%gather3A_347] in [0] : vector<16xf32>, vector<16xi32> -> vector<16xf32>
      %max3A_349 = arith.maximumf %max3A_335, %gather3A_348 : vector<16xf32>
      %xor3A_350 = arith.constant 2 : i32
      %xor3A_351 = vector.broadcast %xor3A_350 : i32 to vector<16xi32>
      %xor3A_352 = arith.xori %iota3A_321, %xor3A_351 : vector<16xi32>
      %lt3A_353 = arith.constant 0 : i32
      %lt3A_354 = vector.broadcast %lt3A_353 : i32 to vector<16xi32>
      %lt3A_355 = arith.cmpi slt, %xor3A_352, %lt3A_354 : vector<16xi32>
      %add3A_356 = arith.constant 16 : i32
      %add3A_357 = vector.broadcast %add3A_356 : i32 to vector<16xi32>
      %add3A_358 = arith.addi %xor3A_352, %add3A_357 : vector<16xi32>
      %select_n3A_359 = arith.select %lt3A_355, %add3A_358, %xor3A_352 : vector<16xi1>, vector<16xi32>
      %reshape3A_360 = vector.shape_cast %select_n3A_359 : vector<16xi32> to vector<16x1xi32>
      %gather3A_361 = vector.shape_cast %reshape3A_360 : vector<16x1xi32> to vector<16xi32>
      %gather3A_362 = tpu.dynamic_gather %max3A_349[%gather3A_361] in [0] : vector<16xf32>, vector<16xi32> -> vector<16xf32>
      %max3A_363 = arith.maximumf %max3A_349, %gather3A_362 : vector<16xf32>
      %xor3A_364 = arith.constant 1 : i32
      %xor3A_365 = vector.broadcast %xor3A_364 : i32 to vector<16xi32>
      %xor3A_366 = arith.xori %iota3A_321, %xor3A_365 : vector<16xi32>
      %lt3A_367 = arith.constant 0 : i32
      %lt3A_368 = vector.broadcast %lt3A_367 : i32 to vector<16xi32>
      %lt3A_369 = arith.cmpi slt, %xor3A_366, %lt3A_368 : vector<16xi32>
      %add3A_370 = arith.constant 16 : i32
      %add3A_371 = vector.broadcast %add3A_370 : i32 to vector<16xi32>
      %add3A_372 = arith.addi %xor3A_366, %add3A_371 : vector<16xi32>
      %select_n3A_373 = arith.select %lt3A_369, %add3A_372, %xor3A_366 : vector<16xi1>, vector<16xi32>
      %reshape3A_374 = vector.shape_cast %select_n3A_373 : vector<16xi32> to vector<16x1xi32>
      %gather3A_375 = vector.shape_cast %reshape3A_374 : vector<16x1xi32> to vector<16xi32>
      %gather3A_376 = tpu.dynamic_gather %max3A_363[%gather3A_375] in [0] : vector<16xf32>, vector<16xi32> -> vector<16xf32>
      %max3A_377 = arith.maximumf %max3A_363, %gather3A_376 : vector<16xf32>
      %iota3A_378 = tpu.iota {dimensions = array<i32: 0>} : vector<16xi32>
      %xor3A_379 = arith.constant 8 : i32
      %xor3A_380 = vector.broadcast %xor3A_379 : i32 to vector<16xi32>
      %xor3A_381 = arith.xori %iota3A_378, %xor3A_380 : vector<16xi32>
      %lt3A_382 = arith.constant 0 : i32
      %lt3A_383 = vector.broadcast %lt3A_382 : i32 to vector<16xi32>
      %lt3A_384 = arith.cmpi slt, %xor3A_381, %lt3A_383 : vector<16xi32>
      %add3A_385 = arith.constant 16 : i32
      %add3A_386 = vector.broadcast %add3A_385 : i32 to vector<16xi32>
      %add3A_387 = arith.addi %xor3A_381, %add3A_386 : vector<16xi32>
      %select_n3A_388 = arith.select %lt3A_384, %add3A_387, %xor3A_381 : vector<16xi1>, vector<16xi32>
      %reshape3A_389 = vector.shape_cast %select_n3A_388 : vector<16xi32> to vector<16x1xi32>
      %gather3A_390 = vector.shape_cast %reshape3A_389 : vector<16x1xi32> to vector<16xi32>
      %gather3A_391 = tpu.dynamic_gather %scan3A_77#3[%gather3A_390] in [0] : vector<16xf32>, vector<16xi32> -> vector<16xf32>
      %max3A_392 = arith.maximumf %scan3A_77#3, %gather3A_391 : vector<16xf32>
      %xor3A_393 = arith.constant 4 : i32
      %xor3A_394 = vector.broadcast %xor3A_393 : i32 to vector<16xi32>
      %xor3A_395 = arith.xori %iota3A_378, %xor3A_394 : vector<16xi32>
      %lt3A_396 = arith.constant 0 : i32
      %lt3A_397 = vector.broadcast %lt3A_396 : i32 to vector<16xi32>
      %lt3A_398 = arith.cmpi slt, %xor3A_395, %lt3A_397 : vector<16xi32>
      %add3A_399 = arith.constant 16 : i32
      %add3A_400 = vector.broadcast %add3A_399 : i32 to vector<16xi32>
      %add3A_401 = arith.addi %xor3A_395, %add3A_400 : vector<16xi32>
      %select_n3A_402 = arith.select %lt3A_398, %add3A_401, %xor3A_395 : vector<16xi1>, vector<16xi32>
      %reshape3A_403 = vector.shape_cast %select_n3A_402 : vector<16xi32> to vector<16x1xi32>
      %gather3A_404 = vector.shape_cast %reshape3A_403 : vector<16x1xi32> to vector<16xi32>
      %gather3A_405 = tpu.dynamic_gather %max3A_392[%gather3A_404] in [0] : vector<16xf32>, vector<16xi32> -> vector<16xf32>
      %max3A_406 = arith.maximumf %max3A_392, %gather3A_405 : vector<16xf32>
      %xor3A_407 = arith.constant 2 : i32
      %xor3A_408 = vector.broadcast %xor3A_407 : i32 to vector<16xi32>
      %xor3A_409 = arith.xori %iota3A_378, %xor3A_408 : vector<16xi32>
      %lt3A_410 = arith.constant 0 : i32
      %lt3A_411 = vector.broadcast %lt3A_410 : i32 to vector<16xi32>
      %lt3A_412 = arith.cmpi slt, %xor3A_409, %lt3A_411 : vector<16xi32>
      %add3A_413 = arith.constant 16 : i32
      %add3A_414 = vector.broadcast %add3A_413 : i32 to vector<16xi32>
      %add3A_415 = arith.addi %xor3A_409, %add3A_414 : vector<16xi32>
      %select_n3A_416 = arith.select %lt3A_412, %add3A_415, %xor3A_409 : vector<16xi1>, vector<16xi32>
      %reshape3A_417 = vector.shape_cast %select_n3A_416 : vector<16xi32> to vector<16x1xi32>
      %gather3A_418 = vector.shape_cast %reshape3A_417 : vector<16x1xi32> to vector<16xi32>
      %gather3A_419 = tpu.dynamic_gather %max3A_406[%gather3A_418] in [0] : vector<16xf32>, vector<16xi32> -> vector<16xf32>
      %max3A_420 = arith.maximumf %max3A_406, %gather3A_419 : vector<16xf32>
      %xor3A_421 = arith.constant 1 : i32
      %xor3A_422 = vector.broadcast %xor3A_421 : i32 to vector<16xi32>
      %xor3A_423 = arith.xori %iota3A_378, %xor3A_422 : vector<16xi32>
      %lt3A_424 = arith.constant 0 : i32
      %lt3A_425 = vector.broadcast %lt3A_424 : i32 to vector<16xi32>
      %lt3A_426 = arith.cmpi slt, %xor3A_423, %lt3A_425 : vector<16xi32>
      %add3A_427 = arith.constant 16 : i32
      %add3A_428 = vector.broadcast %add3A_427 : i32 to vector<16xi32>
      %add3A_429 = arith.addi %xor3A_423, %add3A_428 : vector<16xi32>
      %select_n3A_430 = arith.select %lt3A_426, %add3A_429, %xor3A_423 : vector<16xi1>, vector<16xi32>
      %reshape3A_431 = vector.shape_cast %select_n3A_430 : vector<16xi32> to vector<16x1xi32>
      %gather3A_432 = vector.shape_cast %reshape3A_431 : vector<16x1xi32> to vector<16xi32>
      %gather3A_433 = tpu.dynamic_gather %max3A_420[%gather3A_432] in [0] : vector<16xf32>, vector<16xi32> -> vector<16xf32>
      %max3A_434 = arith.maximumf %max3A_420, %gather3A_433 : vector<16xf32>
      %iota3A_435 = tpu.iota {dimensions = array<i32: 0>} : vector<16xi32>
      %eq3A_436 = arith.cmpf oeq, %scan3A_77#3, %max3A_434 : vector<16xf32>
      %jit3A_437 = arith.constant 16 : i32
      %broadcast_in_dim3A_438 = vector.broadcast %jit3A_437 : i32 to vector<16xi32>
      %select_n3A_439 = arith.select %eq3A_436, %iota3A_435, %broadcast_in_dim3A_438 : vector<16xi1>, vector<16xi32>
      %iota3A_440 = tpu.iota {dimensions = array<i32: 0>} : vector<16xi32>
      %xor3A_441 = arith.constant 8 : i32
      %xor3A_442 = vector.broadcast %xor3A_441 : i32 to vector<16xi32>
      %xor3A_443 = arith.xori %iota3A_440, %xor3A_442 : vector<16xi32>
      %lt3A_444 = arith.constant 0 : i32
      %lt3A_445 = vector.broadcast %lt3A_444 : i32 to vector<16xi32>
      %lt3A_446 = arith.cmpi slt, %xor3A_443, %lt3A_445 : vector<16xi32>
      %add3A_447 = arith.constant 16 : i32
      %add3A_448 = vector.broadcast %add3A_447 : i32 to vector<16xi32>
      %add3A_449 = arith.addi %xor3A_443, %add3A_448 : vector<16xi32>
      %select_n3A_450 = arith.select %lt3A_446, %add3A_449, %xor3A_443 : vector<16xi1>, vector<16xi32>
      %reshape3A_451 = vector.shape_cast %select_n3A_450 : vector<16xi32> to vector<16x1xi32>
      %gather3A_452 = vector.shape_cast %reshape3A_451 : vector<16x1xi32> to vector<16xi32>
      %gather3A_453 = tpu.dynamic_gather %select_n3A_439[%gather3A_452] in [0] : vector<16xi32>, vector<16xi32> -> vector<16xi32>
      %min3A_454 = arith.minsi %select_n3A_439, %gather3A_453 : vector<16xi32>
      %xor3A_455 = arith.constant 4 : i32
      %xor3A_456 = vector.broadcast %xor3A_455 : i32 to vector<16xi32>
      %xor3A_457 = arith.xori %iota3A_440, %xor3A_456 : vector<16xi32>
      %lt3A_458 = arith.constant 0 : i32
      %lt3A_459 = vector.broadcast %lt3A_458 : i32 to vector<16xi32>
      %lt3A_460 = arith.cmpi slt, %xor3A_457, %lt3A_459 : vector<16xi32>
      %add3A_461 = arith.constant 16 : i32
      %add3A_462 = vector.broadcast %add3A_461 : i32 to vector<16xi32>
      %add3A_463 = arith.addi %xor3A_457, %add3A_462 : vector<16xi32>
      %select_n3A_464 = arith.select %lt3A_460, %add3A_463, %xor3A_457 : vector<16xi1>, vector<16xi32>
      %reshape3A_465 = vector.shape_cast %select_n3A_464 : vector<16xi32> to vector<16x1xi32>
      %gather3A_466 = vector.shape_cast %reshape3A_465 : vector<16x1xi32> to vector<16xi32>
      %gather3A_467 = tpu.dynamic_gather %min3A_454[%gather3A_466] in [0] : vector<16xi32>, vector<16xi32> -> vector<16xi32>
      %min3A_468 = arith.minsi %min3A_454, %gather3A_467 : vector<16xi32>
      %xor3A_469 = arith.constant 2 : i32
      %xor3A_470 = vector.broadcast %xor3A_469 : i32 to vector<16xi32>
      %xor3A_471 = arith.xori %iota3A_440, %xor3A_470 : vector<16xi32>
      %lt3A_472 = arith.constant 0 : i32
      %lt3A_473 = vector.broadcast %lt3A_472 : i32 to vector<16xi32>
      %lt3A_474 = arith.cmpi slt, %xor3A_471, %lt3A_473 : vector<16xi32>
      %add3A_475 = arith.constant 16 : i32
      %add3A_476 = vector.broadcast %add3A_475 : i32 to vector<16xi32>
      %add3A_477 = arith.addi %xor3A_471, %add3A_476 : vector<16xi32>
      %select_n3A_478 = arith.select %lt3A_474, %add3A_477, %xor3A_471 : vector<16xi1>, vector<16xi32>
      %reshape3A_479 = vector.shape_cast %select_n3A_478 : vector<16xi32> to vector<16x1xi32>
      %gather3A_480 = vector.shape_cast %reshape3A_479 : vector<16x1xi32> to vector<16xi32>
      %gather3A_481 = tpu.dynamic_gather %min3A_468[%gather3A_480] in [0] : vector<16xi32>, vector<16xi32> -> vector<16xi32>
      %min3A_482 = arith.minsi %min3A_468, %gather3A_481 : vector<16xi32>
      %xor3A_483 = arith.constant 1 : i32
      %xor3A_484 = vector.broadcast %xor3A_483 : i32 to vector<16xi32>
      %xor3A_485 = arith.xori %iota3A_440, %xor3A_484 : vector<16xi32>
      %lt3A_486 = arith.constant 0 : i32
      %lt3A_487 = vector.broadcast %lt3A_486 : i32 to vector<16xi32>
      %lt3A_488 = arith.cmpi slt, %xor3A_485, %lt3A_487 : vector<16xi32>
      %add3A_489 = arith.constant 16 : i32
      %add3A_490 = vector.broadcast %add3A_489 : i32 to vector<16xi32>
      %add3A_491 = arith.addi %xor3A_485, %add3A_490 : vector<16xi32>
      %select_n3A_492 = arith.select %lt3A_488, %add3A_491, %xor3A_485 : vector<16xi1>, vector<16xi32>
      %reshape3A_493 = vector.shape_cast %select_n3A_492 : vector<16xi32> to vector<16x1xi32>
      %gather3A_494 = vector.shape_cast %reshape3A_493 : vector<16x1xi32> to vector<16xi32>
      %gather3A_495 = tpu.dynamic_gather %min3A_482[%gather3A_494] in [0] : vector<16xi32>, vector<16xi32> -> vector<16xi32>
      %min3A_496 = arith.minsi %min3A_482, %gather3A_495 : vector<16xi32>
      %eq3A_497 = arith.cmpi eq, %iota3A_435, %min3A_496 : vector<16xi32>
      %select_n3A_498 = arith.select %eq3A_497, %scan3A_77#4, %scan3A_77#3 : vector<16xi1>, vector<16xf32>
      %select_n3A_499 = arith.select %eq3A_497, %scan3A_77#5, %scan3A_77#4 : vector<16xi1>, vector<16xf32>
      %iota3A_500 = tpu.iota {dimensions = array<i32: 0>} : vector<16xi32>
      %xor3A_501 = arith.constant 8 : i32
      %xor3A_502 = vector.broadcast %xor3A_501 : i32 to vector<16xi32>
      %xor3A_503 = arith.xori %iota3A_500, %xor3A_502 : vector<16xi32>
      %lt3A_504 = arith.constant 0 : i32
      %lt3A_505 = vector.broadcast %lt3A_504 : i32 to vector<16xi32>
      %lt3A_506 = arith.cmpi slt, %xor3A_503, %lt3A_505 : vector<16xi32>
      %add3A_507 = arith.constant 16 : i32
      %add3A_508 = vector.broadcast %add3A_507 : i32 to vector<16xi32>
      %add3A_509 = arith.addi %xor3A_503, %add3A_508 : vector<16xi32>
      %select_n3A_510 = arith.select %lt3A_506, %add3A_509, %xor3A_503 : vector<16xi1>, vector<16xi32>
      %reshape3A_511 = vector.shape_cast %select_n3A_510 : vector<16xi32> to vector<16x1xi32>
      %gather3A_512 = vector.shape_cast %reshape3A_511 : vector<16x1xi32> to vector<16xi32>
      %gather3A_513 = tpu.dynamic_gather %select_n3A_498[%gather3A_512] in [0] : vector<16xf32>, vector<16xi32> -> vector<16xf32>
      %max3A_514 = arith.maximumf %select_n3A_498, %gather3A_513 : vector<16xf32>
      %xor3A_515 = arith.constant 4 : i32
      %xor3A_516 = vector.broadcast %xor3A_515 : i32 to vector<16xi32>
      %xor3A_517 = arith.xori %iota3A_500, %xor3A_516 : vector<16xi32>
      %lt3A_518 = arith.constant 0 : i32
      %lt3A_519 = vector.broadcast %lt3A_518 : i32 to vector<16xi32>
      %lt3A_520 = arith.cmpi slt, %xor3A_517, %lt3A_519 : vector<16xi32>
      %add3A_521 = arith.constant 16 : i32
      %add3A_522 = vector.broadcast %add3A_521 : i32 to vector<16xi32>
      %add3A_523 = arith.addi %xor3A_517, %add3A_522 : vector<16xi32>
      %select_n3A_524 = arith.select %lt3A_520, %add3A_523, %xor3A_517 : vector<16xi1>, vector<16xi32>
      %reshape3A_525 = vector.shape_cast %select_n3A_524 : vector<16xi32> to vector<16x1xi32>
      %gather3A_526 = vector.shape_cast %reshape3A_525 : vector<16x1xi32> to vector<16xi32>
      %gather3A_527 = tpu.dynamic_gather %max3A_514[%gather3A_526] in [0] : vector<16xf32>, vector<16xi32> -> vector<16xf32>
      %max3A_528 = arith.maximumf %max3A_514, %gather3A_527 : vector<16xf32>
      %xor3A_529 = arith.constant 2 : i32
      %xor3A_530 = vector.broadcast %xor3A_529 : i32 to vector<16xi32>
      %xor3A_531 = arith.xori %iota3A_500, %xor3A_530 : vector<16xi32>
      %lt3A_532 = arith.constant 0 : i32
      %lt3A_533 = vector.broadcast %lt3A_532 : i32 to vector<16xi32>
      %lt3A_534 = arith.cmpi slt, %xor3A_531, %lt3A_533 : vector<16xi32>
      %add3A_535 = arith.constant 16 : i32
      %add3A_536 = vector.broadcast %add3A_535 : i32 to vector<16xi32>
      %add3A_537 = arith.addi %xor3A_531, %add3A_536 : vector<16xi32>
      %select_n3A_538 = arith.select %lt3A_534, %add3A_537, %xor3A_531 : vector<16xi1>, vector<16xi32>
      %reshape3A_539 = vector.shape_cast %select_n3A_538 : vector<16xi32> to vector<16x1xi32>
      %gather3A_540 = vector.shape_cast %reshape3A_539 : vector<16x1xi32> to vector<16xi32>
      %gather3A_541 = tpu.dynamic_gather %max3A_528[%gather3A_540] in [0] : vector<16xf32>, vector<16xi32> -> vector<16xf32>
      %max3A_542 = arith.maximumf %max3A_528, %gather3A_541 : vector<16xf32>
      %xor3A_543 = arith.constant 1 : i32
      %xor3A_544 = vector.broadcast %xor3A_543 : i32 to vector<16xi32>
      %xor3A_545 = arith.xori %iota3A_500, %xor3A_544 : vector<16xi32>
      %lt3A_546 = arith.constant 0 : i32
      %lt3A_547 = vector.broadcast %lt3A_546 : i32 to vector<16xi32>
      %lt3A_548 = arith.cmpi slt, %xor3A_545, %lt3A_547 : vector<16xi32>
      %add3A_549 = arith.constant 16 : i32
      %add3A_550 = vector.broadcast %add3A_549 : i32 to vector<16xi32>
      %add3A_551 = arith.addi %xor3A_545, %add3A_550 : vector<16xi32>
      %select_n3A_552 = arith.select %lt3A_548, %add3A_551, %xor3A_545 : vector<16xi1>, vector<16xi32>
      %reshape3A_553 = vector.shape_cast %select_n3A_552 : vector<16xi32> to vector<16x1xi32>
      %gather3A_554 = vector.shape_cast %reshape3A_553 : vector<16x1xi32> to vector<16xi32>
      %gather3A_555 = tpu.dynamic_gather %max3A_542[%gather3A_554] in [0] : vector<16xf32>, vector<16xi32> -> vector<16xf32>
      %max3A_556 = arith.maximumf %max3A_542, %gather3A_555 : vector<16xf32>
      %iota3A_557 = tpu.iota {dimensions = array<i32: 0>} : vector<16xi32>
      %eq3A_558 = arith.cmpf oeq, %select_n3A_498, %max3A_556 : vector<16xf32>
      %jit3A_559 = arith.constant 16 : i32
      %broadcast_in_dim3A_560 = vector.broadcast %jit3A_559 : i32 to vector<16xi32>
      %select_n3A_561 = arith.select %eq3A_558, %iota3A_557, %broadcast_in_dim3A_560 : vector<16xi1>, vector<16xi32>
      %iota3A_562 = tpu.iota {dimensions = array<i32: 0>} : vector<16xi32>
      %xor3A_563 = arith.constant 8 : i32
      %xor3A_564 = vector.broadcast %xor3A_563 : i32 to vector<16xi32>
      %xor3A_565 = arith.xori %iota3A_562, %xor3A_564 : vector<16xi32>
      %lt3A_566 = arith.constant 0 : i32
      %lt3A_567 = vector.broadcast %lt3A_566 : i32 to vector<16xi32>
      %lt3A_568 = arith.cmpi slt, %xor3A_565, %lt3A_567 : vector<16xi32>
      %add3A_569 = arith.constant 16 : i32
      %add3A_570 = vector.broadcast %add3A_569 : i32 to vector<16xi32>
      %add3A_571 = arith.addi %xor3A_565, %add3A_570 : vector<16xi32>
      %select_n3A_572 = arith.select %lt3A_568, %add3A_571, %xor3A_565 : vector<16xi1>, vector<16xi32>
      %reshape3A_573 = vector.shape_cast %select_n3A_572 : vector<16xi32> to vector<16x1xi32>
      %gather3A_574 = vector.shape_cast %reshape3A_573 : vector<16x1xi32> to vector<16xi32>
      %gather3A_575 = tpu.dynamic_gather %select_n3A_561[%gather3A_574] in [0] : vector<16xi32>, vector<16xi32> -> vector<16xi32>
      %min3A_576 = arith.minsi %select_n3A_561, %gather3A_575 : vector<16xi32>
      %xor3A_577 = arith.constant 4 : i32
      %xor3A_578 = vector.broadcast %xor3A_577 : i32 to vector<16xi32>
      %xor3A_579 = arith.xori %iota3A_562, %xor3A_578 : vector<16xi32>
      %lt3A_580 = arith.constant 0 : i32
      %lt3A_581 = vector.broadcast %lt3A_580 : i32 to vector<16xi32>
      %lt3A_582 = arith.cmpi slt, %xor3A_579, %lt3A_581 : vector<16xi32>
      %add3A_583 = arith.constant 16 : i32
      %add3A_584 = vector.broadcast %add3A_583 : i32 to vector<16xi32>
      %add3A_585 = arith.addi %xor3A_579, %add3A_584 : vector<16xi32>
      %select_n3A_586 = arith.select %lt3A_582, %add3A_585, %xor3A_579 : vector<16xi1>, vector<16xi32>
      %reshape3A_587 = vector.shape_cast %select_n3A_586 : vector<16xi32> to vector<16x1xi32>
      %gather3A_588 = vector.shape_cast %reshape3A_587 : vector<16x1xi32> to vector<16xi32>
      %gather3A_589 = tpu.dynamic_gather %min3A_576[%gather3A_588] in [0] : vector<16xi32>, vector<16xi32> -> vector<16xi32>
      %min3A_590 = arith.minsi %min3A_576, %gather3A_589 : vector<16xi32>
      %xor3A_591 = arith.constant 2 : i32
      %xor3A_592 = vector.broadcast %xor3A_591 : i32 to vector<16xi32>
      %xor3A_593 = arith.xori %iota3A_562, %xor3A_592 : vector<16xi32>
      %lt3A_594 = arith.constant 0 : i32
      %lt3A_595 = vector.broadcast %lt3A_594 : i32 to vector<16xi32>
      %lt3A_596 = arith.cmpi slt, %xor3A_593, %lt3A_595 : vector<16xi32>
      %add3A_597 = arith.constant 16 : i32
      %add3A_598 = vector.broadcast %add3A_597 : i32 to vector<16xi32>
      %add3A_599 = arith.addi %xor3A_593, %add3A_598 : vector<16xi32>
      %select_n3A_600 = arith.select %lt3A_596, %add3A_599, %xor3A_593 : vector<16xi1>, vector<16xi32>
      %reshape3A_601 = vector.shape_cast %select_n3A_600 : vector<16xi32> to vector<16x1xi32>
      %gather3A_602 = vector.shape_cast %reshape3A_601 : vector<16x1xi32> to vector<16xi32>
      %gather3A_603 = tpu.dynamic_gather %min3A_590[%gather3A_602] in [0] : vector<16xi32>, vector<16xi32> -> vector<16xi32>
      %min3A_604 = arith.minsi %min3A_590, %gather3A_603 : vector<16xi32>
      %xor3A_605 = arith.constant 1 : i32
      %xor3A_606 = vector.broadcast %xor3A_605 : i32 to vector<16xi32>
      %xor3A_607 = arith.xori %iota3A_562, %xor3A_606 : vector<16xi32>
      %lt3A_608 = arith.constant 0 : i32
      %lt3A_609 = vector.broadcast %lt3A_608 : i32 to vector<16xi32>
      %lt3A_610 = arith.cmpi slt, %xor3A_607, %lt3A_609 : vector<16xi32>
      %add3A_611 = arith.constant 16 : i32
      %add3A_612 = vector.broadcast %add3A_611 : i32 to vector<16xi32>
      %add3A_613 = arith.addi %xor3A_607, %add3A_612 : vector<16xi32>
      %select_n3A_614 = arith.select %lt3A_610, %add3A_613, %xor3A_607 : vector<16xi1>, vector<16xi32>
      %reshape3A_615 = vector.shape_cast %select_n3A_614 : vector<16xi32> to vector<16x1xi32>
      %gather3A_616 = vector.shape_cast %reshape3A_615 : vector<16x1xi32> to vector<16xi32>
      %gather3A_617 = tpu.dynamic_gather %min3A_604[%gather3A_616] in [0] : vector<16xi32>, vector<16xi32> -> vector<16xi32>
      %min3A_618 = arith.minsi %min3A_604, %gather3A_617 : vector<16xi32>
      %eq3A_619 = arith.cmpi eq, %iota3A_557, %min3A_618 : vector<16xi32>
      %select_n3A_620 = arith.select %eq3A_619, %select_n3A_499, %select_n3A_498 : vector<16xi1>, vector<16xf32>
      %select_n3A_621 = arith.select %eq3A_619, %scan3A_77#5, %select_n3A_499 : vector<16xi1>, vector<16xf32>
      %iota3A_622 = tpu.iota {dimensions = array<i32: 0>} : vector<16xi32>
      %xor3A_623 = arith.constant 8 : i32
      %xor3A_624 = vector.broadcast %xor3A_623 : i32 to vector<16xi32>
      %xor3A_625 = arith.xori %iota3A_622, %xor3A_624 : vector<16xi32>
      %lt3A_626 = arith.constant 0 : i32
      %lt3A_627 = vector.broadcast %lt3A_626 : i32 to vector<16xi32>
      %lt3A_628 = arith.cmpi slt, %xor3A_625, %lt3A_627 : vector<16xi32>
      %add3A_629 = arith.constant 16 : i32
      %add3A_630 = vector.broadcast %add3A_629 : i32 to vector<16xi32>
      %add3A_631 = arith.addi %xor3A_625, %add3A_630 : vector<16xi32>
      %select_n3A_632 = arith.select %lt3A_628, %add3A_631, %xor3A_625 : vector<16xi1>, vector<16xi32>
      %reshape3A_633 = vector.shape_cast %select_n3A_632 : vector<16xi32> to vector<16x1xi32>
      %gather3A_634 = vector.shape_cast %reshape3A_633 : vector<16x1xi32> to vector<16xi32>
      %gather3A_635 = tpu.dynamic_gather %select_n3A_620[%gather3A_634] in [0] : vector<16xf32>, vector<16xi32> -> vector<16xf32>
      %max3A_636 = arith.maximumf %select_n3A_620, %gather3A_635 : vector<16xf32>
      %xor3A_637 = arith.constant 4 : i32
      %xor3A_638 = vector.broadcast %xor3A_637 : i32 to vector<16xi32>
      %xor3A_639 = arith.xori %iota3A_622, %xor3A_638 : vector<16xi32>
      %lt3A_640 = arith.constant 0 : i32
      %lt3A_641 = vector.broadcast %lt3A_640 : i32 to vector<16xi32>
      %lt3A_642 = arith.cmpi slt, %xor3A_639, %lt3A_641 : vector<16xi32>
      %add3A_643 = arith.constant 16 : i32
      %add3A_644 = vector.broadcast %add3A_643 : i32 to vector<16xi32>
      %add3A_645 = arith.addi %xor3A_639, %add3A_644 : vector<16xi32>
      %select_n3A_646 = arith.select %lt3A_642, %add3A_645, %xor3A_639 : vector<16xi1>, vector<16xi32>
      %reshape3A_647 = vector.shape_cast %select_n3A_646 : vector<16xi32> to vector<16x1xi32>
      %gather3A_648 = vector.shape_cast %reshape3A_647 : vector<16x1xi32> to vector<16xi32>
      %gather3A_649 = tpu.dynamic_gather %max3A_636[%gather3A_648] in [0] : vector<16xf32>, vector<16xi32> -> vector<16xf32>
      %max3A_650 = arith.maximumf %max3A_636, %gather3A_649 : vector<16xf32>
      %xor3A_651 = arith.constant 2 : i32
      %xor3A_652 = vector.broadcast %xor3A_651 : i32 to vector<16xi32>
      %xor3A_653 = arith.xori %iota3A_622, %xor3A_652 : vector<16xi32>
      %lt3A_654 = arith.constant 0 : i32
      %lt3A_655 = vector.broadcast %lt3A_654 : i32 to vector<16xi32>
      %lt3A_656 = arith.cmpi slt, %xor3A_653, %lt3A_655 : vector<16xi32>
      %add3A_657 = arith.constant 16 : i32
      %add3A_658 = vector.broadcast %add3A_657 : i32 to vector<16xi32>
      %add3A_659 = arith.addi %xor3A_653, %add3A_658 : vector<16xi32>
      %select_n3A_660 = arith.select %lt3A_656, %add3A_659, %xor3A_653 : vector<16xi1>, vector<16xi32>
      %reshape3A_661 = vector.shape_cast %select_n3A_660 : vector<16xi32> to vector<16x1xi32>
      %gather3A_662 = vector.shape_cast %reshape3A_661 : vector<16x1xi32> to vector<16xi32>
      %gather3A_663 = tpu.dynamic_gather %max3A_650[%gather3A_662] in [0] : vector<16xf32>, vector<16xi32> -> vector<16xf32>
      %max3A_664 = arith.maximumf %max3A_650, %gather3A_663 : vector<16xf32>
      %xor3A_665 = arith.constant 1 : i32
      %xor3A_666 = vector.broadcast %xor3A_665 : i32 to vector<16xi32>
      %xor3A_667 = arith.xori %iota3A_622, %xor3A_666 : vector<16xi32>
      %lt3A_668 = arith.constant 0 : i32
      %lt3A_669 = vector.broadcast %lt3A_668 : i32 to vector<16xi32>
      %lt3A_670 = arith.cmpi slt, %xor3A_667, %lt3A_669 : vector<16xi32>
      %add3A_671 = arith.constant 16 : i32
      %add3A_672 = vector.broadcast %add3A_671 : i32 to vector<16xi32>
      %add3A_673 = arith.addi %xor3A_667, %add3A_672 : vector<16xi32>
      %select_n3A_674 = arith.select %lt3A_670, %add3A_673, %xor3A_667 : vector<16xi1>, vector<16xi32>
      %reshape3A_675 = vector.shape_cast %select_n3A_674 : vector<16xi32> to vector<16x1xi32>
      %gather3A_676 = vector.shape_cast %reshape3A_675 : vector<16x1xi32> to vector<16xi32>
      %gather3A_677 = tpu.dynamic_gather %max3A_664[%gather3A_676] in [0] : vector<16xf32>, vector<16xi32> -> vector<16xf32>
      %max3A_678 = arith.maximumf %max3A_664, %gather3A_677 : vector<16xf32>
      %sub3A = arith.subf %max3A_136, %max3A_434 : vector<16xf32>
      %sub3A_679 = arith.subf %max3A_255, %max3A_556 : vector<16xf32>
      %sub3A_680 = arith.subf %max3A_377, %max3A_678 : vector<16xf32>
      %mul3A_681 = arith.constant 9.000000e+00 : f32
      %mul3A_682 = vector.broadcast %mul3A_681 : f32 to vector<16xf32>
      %mul3A_683 = arith.mulf %mul3A_682, %sub3A : vector<16xf32>
      %mul3A_684 = arith.mulf %mul3A_683, %sub3A : vector<16xf32>
      %add3A_685 = arith.addf %scan3A_38, %mul3A_684 : vector<16xf32>
      %mul3A_686 = arith.constant 4.000000e+00 : f32
      %mul3A_687 = vector.broadcast %mul3A_686 : f32 to vector<16xf32>
      %mul3A_688 = arith.mulf %mul3A_687, %sub3A_679 : vector<16xf32>
      %mul3A_689 = arith.mulf %mul3A_688, %sub3A_679 : vector<16xf32>
      %add3A_690 = arith.addf %add3A_685, %mul3A_689 : vector<16xf32>
      %mul3A_691 = arith.mulf %sub3A_680, %sub3A_680 : vector<16xf32>
      %add3A_692 = arith.addf %add3A_690, %mul3A_691 : vector<16xf32>
      scf.yield %add3A_692 : vector<16xf32>
    }
    %scan3A_35 = arith.constant 3 : i32
    %swap3A = arith.constant 0 : index
    %swap3A_36 = tpu.vector_load %arg9[%swap3A] {strides = array<i32>} : memref<16xf32, #tpu.memory_space<vmem>>, vector<16xf32>,
    tpu.vector_store %arg9[%swap3A], %scan3A_34 {strides = array<i32>} : memref<16xf32, #tpu.memory_space<vmem>>, vector<16xf32>,
    "tpu.region"() ({
      %run_scoped3A = tpu.sem_alloc : memref<!tpu.dma_semaphore, #tpu.memory_space<semaphore_mem>>
      %dma_start3A_37 = arith.constant 0 : i32
      %dma_start3A_38 = tpu.memref_slice %arg4[%add3A, %dma_start3A_37] : memref<32x16xf32, #tpu.memory_space<hbm>> -> memref<1x16xf32, #tpu.memory_space<hbm>>
      %dma_start3A_39 = tpu.memref_squeeze %dma_start3A_38 : memref<1x16xf32, #tpu.memory_space<hbm>> -> memref<16xf32, #tpu.memory_space<hbm>>
      %dma_start3A_40 = arith.constant 0 : i32
      %dma_start3A_41 = tpu.memref_slice %arg4[%add3A, %dma_start3A_40] : memref<32x16xf32, #tpu.memory_space<hbm>> -> memref<1x16xf32, #tpu.memory_space<hbm>>
      %dma_start3A_42 = tpu.memref_squeeze %dma_start3A_41 : memref<1x16xf32, #tpu.memory_space<hbm>> -> memref<16xf32, #tpu.memory_space<hbm>>
      tpu.enqueue_dma source(%arg9 : memref<16xf32, #tpu.memory_space<vmem>>) target(%dma_start3A_42 : memref<16xf32, #tpu.memory_space<hbm>>) target_semaphore(%run_scoped3A : memref<!tpu.dma_semaphore, #tpu.memory_space<semaphore_mem>>)
      %dma_wait3A = arith.constant 0 : i32
      %dma_wait3A_43 = tpu.memref_slice %arg4[%add3A, %dma_wait3A] : memref<32x16xf32, #tpu.memory_space<hbm>> -> memref<1x16xf32, #tpu.memory_space<hbm>>
      %dma_wait3A_44 = tpu.memref_squeeze %dma_wait3A_43 : memref<1x16xf32, #tpu.memory_space<hbm>> -> memref<16xf32, #tpu.memory_space<hbm>>
      %dma_wait3A_45 = arith.constant 0 : i32
      %dma_wait3A_46 = tpu.memref_slice %arg4[%add3A, %dma_wait3A_45] : memref<32x16xf32, #tpu.memory_space<hbm>> -> memref<1x16xf32, #tpu.memory_space<hbm>>
      %dma_wait3A_47 = tpu.memref_squeeze %dma_wait3A_46 : memref<1x16xf32, #tpu.memory_space<hbm>> -> memref<16xf32, #tpu.memory_space<hbm>>
      tpu.wait_dma2 semaphore(%run_scoped3A : memref<!tpu.dma_semaphore, #tpu.memory_space<semaphore_mem>>) src(%arg9 : memref<16xf32, #tpu.memory_space<vmem>>) dst(%dma_wait3A_47 : memref<16xf32, #tpu.memory_space<hbm>>)
      tpu.yield
    }) : () -> ()
    return
  }
}

module attributes {stable_mosaic.version = 14 : i64} {
  func.func @body(%arg0: i32, %arg1: memref<8x32768xf32, #tpu.memory_space<vmem>>, %arg2: memref<8x32768xf32, #tpu.memory_space<vmem>>, %arg3: memref<1x1xf32, #tpu.memory_space<smem>>) attributes {dimension_semantics = [#tpu.dimension_semantics<arbitrary>], iteration_bounds = array<i64: 4>, scalar_prefetch = 0 : i64, scratch_operands = 0 : i64, tpu.core_type = #tpu.core_type<tc>, window_params = [{transform_indices = @transform_0, window_bounds = array<i64: 8, 32768>}, {transform_indices = @transform_1, window_bounds = array<i64: 8, 32768>}, {transform_indices = @transform_2, window_bounds = array<i64: 1, 1>}]} {
    %broadcast_in_dim3A = arith.constant 0xFF800000 : f32
    %broadcast_in_dim3A_0 = vector.broadcast %broadcast_in_dim3A : f32 to vector<8x128xf32>
    %scan3A = arith.constant 0 : i32
    %scan3A_1 = arith.constant 256 : i32
    %scan3A_2 = arith.addi %scan3A, %scan3A_1 : i32
    %scan3A_3 = arith.constant 1 : i32
    %scan3A_4:3 = scf.for %scan3A_95 = %scan3A to %scan3A_2 step %scan3A_3 iter_args(%scan3A_96 = %broadcast_in_dim3A_0, %scan3A_97 = %broadcast_in_dim3A_0, %scan3A_98 = %broadcast_in_dim3A_0) -> (vector<8x128xf32>, vector<8x128xf32>, vector<8x128xf32>)  : i32 {
      %mul3A_99 = arith.constant 128 : i32
      %mul3A_100 = arith.muli %scan3A_95, %mul3A_99 : i32
      %get3A_101 = arith.constant 0 : index
      %get3A_102 = arith.index_cast %mul3A_100 : i32 to index
      %get3A_103 = vector.load %arg1[%get3A_101, %get3A_102] : memref<8x32768xf32, #tpu.memory_space<vmem>>, vector<8x128xf32>
      %max3A = arith.maximumf %scan3A_96, %get3A_103 : vector<8x128xf32>
      %min3A = arith.minimumf %scan3A_96, %get3A_103 : vector<8x128xf32>
      %max3A_104 = arith.maximumf %scan3A_97, %min3A : vector<8x128xf32>
      %min3A_105 = arith.minimumf %scan3A_97, %min3A : vector<8x128xf32>
      %max3A_106 = arith.maximumf %scan3A_98, %min3A_105 : vector<8x128xf32>
      scf.yield %max3A, %max3A_104, %max3A_106 : vector<8x128xf32>, vector<8x128xf32>, vector<8x128xf32>
    }
    %scan3A_5 = arith.constant 256 : i32
    %iota3A = tpu.iota {dimensions = array<i32: 1>} : vector<8x128xi32>
    %reduce_max3A = arith.constant dense<0xFF800000> : vector<8xf32>
    %reduce_max3A_6 = vector.multi_reduction <maximumf>, %scan3A_4#0, %reduce_max3A [1] : vector<8x128xf32> to vector<8xf32>
    %broadcast_in_dim3A_7 = vector.shape_cast %reduce_max3A_6 : vector<8xf32> to vector<8x1xf32>
    %eq3A = vector.broadcast %broadcast_in_dim3A_7 : vector<8x1xf32> to vector<8x128xf32>
    %eq3A_8 = arith.cmpf oeq, %scan3A_4#0, %eq3A : vector<8x128xf32>
    %jit3A = arith.constant 128 : i32
    %broadcast_in_dim3A_9 = vector.broadcast %jit3A : i32 to vector<8x128xi32>
    %select_n3A = arith.select %eq3A_8, %iota3A, %broadcast_in_dim3A_9 : vector<8x128xi1>, vector<8x128xi32>
    %reduce_min3A = arith.constant dense<2147483647> : vector<8xi32>
    %reduce_min3A_10 = vector.multi_reduction <minsi>, %select_n3A, %reduce_min3A [1] : vector<8x128xi32> to vector<8xi32>
    %broadcast_in_dim3A_11 = vector.shape_cast %reduce_min3A_10 : vector<8xi32> to vector<8x1xi32>
    %eq3A_12 = vector.broadcast %broadcast_in_dim3A_11 : vector<8x1xi32> to vector<8x128xi32>
    %eq3A_13 = arith.cmpi eq, %iota3A, %eq3A_12 : vector<8x128xi32>
    %select_n3A_14 = arith.select %eq3A_13, %scan3A_4#1, %scan3A_4#0 : vector<8x128xi1>, vector<8x128xf32>
    %select_n3A_15 = arith.select %eq3A_13, %scan3A_4#2, %scan3A_4#1 : vector<8x128xi1>, vector<8x128xf32>
    %reduce_max3A_16 = arith.constant dense<0xFF800000> : vector<8xf32>
    %reduce_max3A_17 = vector.multi_reduction <maximumf>, %select_n3A_14, %reduce_max3A_16 [1] : vector<8x128xf32> to vector<8xf32>
    %broadcast_in_dim3A_18 = vector.shape_cast %reduce_max3A_17 : vector<8xf32> to vector<8x1xf32>
    %eq3A_19 = vector.broadcast %broadcast_in_dim3A_18 : vector<8x1xf32> to vector<8x128xf32>
    %eq3A_20 = arith.cmpf oeq, %select_n3A_14, %eq3A_19 : vector<8x128xf32>
    %jit3A_21 = arith.constant 128 : i32
    %broadcast_in_dim3A_22 = vector.broadcast %jit3A_21 : i32 to vector<8x128xi32>
    %select_n3A_23 = arith.select %eq3A_20, %iota3A, %broadcast_in_dim3A_22 : vector<8x128xi1>, vector<8x128xi32>
    %reduce_min3A_24 = arith.constant dense<2147483647> : vector<8xi32>
    %reduce_min3A_25 = vector.multi_reduction <minsi>, %select_n3A_23, %reduce_min3A_24 [1] : vector<8x128xi32> to vector<8xi32>
    %broadcast_in_dim3A_26 = vector.shape_cast %reduce_min3A_25 : vector<8xi32> to vector<8x1xi32>
    %eq3A_27 = vector.broadcast %broadcast_in_dim3A_26 : vector<8x1xi32> to vector<8x128xi32>
    %eq3A_28 = arith.cmpi eq, %iota3A, %eq3A_27 : vector<8x128xi32>
    %select_n3A_29 = arith.select %eq3A_28, %select_n3A_15, %select_n3A_14 : vector<8x128xi1>, vector<8x128xf32>
    %reduce_max3A_30 = arith.constant dense<0xFF800000> : vector<8xf32>
    %reduce_max3A_31 = vector.multi_reduction <maximumf>, %select_n3A_29, %reduce_max3A_30 [1] : vector<8x128xf32> to vector<8xf32>
    %broadcast_in_dim3A_32 = vector.shape_cast %reduce_max3A_31 : vector<8xf32> to vector<8x1xf32>
    %scan3A_33 = arith.constant 0 : i32
    %scan3A_34 = arith.constant 256 : i32
    %scan3A_35 = arith.addi %scan3A_33, %scan3A_34 : i32
    %scan3A_36 = arith.constant 1 : i32
    %scan3A_37:3 = scf.for %scan3A_95 = %scan3A_33 to %scan3A_35 step %scan3A_36 iter_args(%scan3A_96 = %broadcast_in_dim3A_0, %scan3A_97 = %broadcast_in_dim3A_0, %scan3A_98 = %broadcast_in_dim3A_0) -> (vector<8x128xf32>, vector<8x128xf32>, vector<8x128xf32>)  : i32 {
      %mul3A_99 = arith.constant 128 : i32
      %mul3A_100 = arith.muli %scan3A_95, %mul3A_99 : i32
      %get3A_101 = arith.constant 0 : index
      %get3A_102 = arith.index_cast %mul3A_100 : i32 to index
      %get3A_103 = vector.load %arg2[%get3A_101, %get3A_102] : memref<8x32768xf32, #tpu.memory_space<vmem>>, vector<8x128xf32>
      %max3A = arith.maximumf %scan3A_96, %get3A_103 : vector<8x128xf32>
      %min3A = arith.minimumf %scan3A_96, %get3A_103 : vector<8x128xf32>
      %max3A_104 = arith.maximumf %scan3A_97, %min3A : vector<8x128xf32>
      %min3A_105 = arith.minimumf %scan3A_97, %min3A : vector<8x128xf32>
      %max3A_106 = arith.maximumf %scan3A_98, %min3A_105 : vector<8x128xf32>
      scf.yield %max3A, %max3A_104, %max3A_106 : vector<8x128xf32>, vector<8x128xf32>, vector<8x128xf32>
    }
    %scan3A_38 = arith.constant 256 : i32
    %iota3A_39 = tpu.iota {dimensions = array<i32: 1>} : vector<8x128xi32>
    %reduce_max3A_40 = arith.constant dense<0xFF800000> : vector<8xf32>
    %reduce_max3A_41 = vector.multi_reduction <maximumf>, %scan3A_37#0, %reduce_max3A_40 [1] : vector<8x128xf32> to vector<8xf32>
    %broadcast_in_dim3A_42 = vector.shape_cast %reduce_max3A_41 : vector<8xf32> to vector<8x1xf32>
    %eq3A_43 = vector.broadcast %broadcast_in_dim3A_42 : vector<8x1xf32> to vector<8x128xf32>
    %eq3A_44 = arith.cmpf oeq, %scan3A_37#0, %eq3A_43 : vector<8x128xf32>
    %jit3A_45 = arith.constant 128 : i32
    %broadcast_in_dim3A_46 = vector.broadcast %jit3A_45 : i32 to vector<8x128xi32>
    %select_n3A_47 = arith.select %eq3A_44, %iota3A_39, %broadcast_in_dim3A_46 : vector<8x128xi1>, vector<8x128xi32>
    %reduce_min3A_48 = arith.constant dense<2147483647> : vector<8xi32>
    %reduce_min3A_49 = vector.multi_reduction <minsi>, %select_n3A_47, %reduce_min3A_48 [1] : vector<8x128xi32> to vector<8xi32>
    %broadcast_in_dim3A_50 = vector.shape_cast %reduce_min3A_49 : vector<8xi32> to vector<8x1xi32>
    %eq3A_51 = vector.broadcast %broadcast_in_dim3A_50 : vector<8x1xi32> to vector<8x128xi32>
    %eq3A_52 = arith.cmpi eq, %iota3A_39, %eq3A_51 : vector<8x128xi32>
    %select_n3A_53 = arith.select %eq3A_52, %scan3A_37#1, %scan3A_37#0 : vector<8x128xi1>, vector<8x128xf32>
    %select_n3A_54 = arith.select %eq3A_52, %scan3A_37#2, %scan3A_37#1 : vector<8x128xi1>, vector<8x128xf32>
    %reduce_max3A_55 = arith.constant dense<0xFF800000> : vector<8xf32>
    %reduce_max3A_56 = vector.multi_reduction <maximumf>, %select_n3A_53, %reduce_max3A_55 [1] : vector<8x128xf32> to vector<8xf32>
    %broadcast_in_dim3A_57 = vector.shape_cast %reduce_max3A_56 : vector<8xf32> to vector<8x1xf32>
    %eq3A_58 = vector.broadcast %broadcast_in_dim3A_57 : vector<8x1xf32> to vector<8x128xf32>
    %eq3A_59 = arith.cmpf oeq, %select_n3A_53, %eq3A_58 : vector<8x128xf32>
    %jit3A_60 = arith.constant 128 : i32
    %broadcast_in_dim3A_61 = vector.broadcast %jit3A_60 : i32 to vector<8x128xi32>
    %select_n3A_62 = arith.select %eq3A_59, %iota3A_39, %broadcast_in_dim3A_61 : vector<8x128xi1>, vector<8x128xi32>
    %reduce_min3A_63 = arith.constant dense<2147483647> : vector<8xi32>
    %reduce_min3A_64 = vector.multi_reduction <minsi>, %select_n3A_62, %reduce_min3A_63 [1] : vector<8x128xi32> to vector<8xi32>
    %broadcast_in_dim3A_65 = vector.shape_cast %reduce_min3A_64 : vector<8xi32> to vector<8x1xi32>
    %eq3A_66 = vector.broadcast %broadcast_in_dim3A_65 : vector<8x1xi32> to vector<8x128xi32>
    %eq3A_67 = arith.cmpi eq, %iota3A_39, %eq3A_66 : vector<8x128xi32>
    %select_n3A_68 = arith.select %eq3A_67, %select_n3A_54, %select_n3A_53 : vector<8x128xi1>, vector<8x128xf32>
    %reduce_max3A_69 = arith.constant dense<0xFF800000> : vector<8xf32>
    %reduce_max3A_70 = vector.multi_reduction <maximumf>, %select_n3A_68, %reduce_max3A_69 [1] : vector<8x128xf32> to vector<8xf32>
    %broadcast_in_dim3A_71 = vector.shape_cast %reduce_max3A_70 : vector<8xf32> to vector<8x1xf32>
    %sub3A = arith.subf %broadcast_in_dim3A_7, %broadcast_in_dim3A_42 : vector<8x1xf32>
    %sub3A_72 = arith.subf %broadcast_in_dim3A_18, %broadcast_in_dim3A_57 : vector<8x1xf32>
    %sub3A_73 = arith.subf %broadcast_in_dim3A_32, %broadcast_in_dim3A_71 : vector<8x1xf32>
    %mul3A = arith.constant 9.000000e+00 : f32
    %mul3A_74 = vector.broadcast %mul3A : f32 to vector<8x1xf32>
    %mul3A_75 = arith.mulf %mul3A_74, %sub3A : vector<8x1xf32>
    %mul3A_76 = arith.mulf %mul3A_75, %sub3A : vector<8x1xf32>
    %mul3A_77 = arith.constant 4.000000e+00 : f32
    %mul3A_78 = vector.broadcast %mul3A_77 : f32 to vector<8x1xf32>
    %mul3A_79 = arith.mulf %mul3A_78, %sub3A_72 : vector<8x1xf32>
    %mul3A_80 = arith.mulf %mul3A_79, %sub3A_72 : vector<8x1xf32>
    %add3A = arith.addf %mul3A_76, %mul3A_80 : vector<8x1xf32>
    %mul3A_81 = arith.mulf %sub3A_73, %sub3A_73 : vector<8x1xf32>
    %add3A_82 = arith.addf %add3A, %mul3A_81 : vector<8x1xf32>
    %reduce_sum3A = vector.shape_cast %add3A_82 : vector<8x1xf32> to vector<1x8x1xf32>
    %reduce_sum3A_83 = arith.constant dense<0.000000e+00> : vector<1xf32>
    %reduce_sum3A_84 = vector.multi_reduction <add>, %reduce_sum3A, %reduce_sum3A_83 [1, 2] : vector<1x8x1xf32> to vector<1xf32>
    %reduce_sum3A_85 = vector.shape_cast %reduce_sum3A_84 : vector<1xf32> to vector<1x1x1xf32>
    %reduce_sum3A_86 = vector.extract %reduce_sum3A_85[0, 0, 0] : f32 from vector<1x1x1xf32>
    %eq3A_87 = arith.constant 0 : i32
    %eq3A_88 = arith.cmpi eq, %arg0, %eq3A_87 : i32
    %convert_element_type3A = arith.extui %eq3A_88 : i1 to i32
    %cond3A = arith.constant 0 : i32
    %cond3A_89 = arith.cmpi ne, %convert_element_type3A, %cond3A : i32
    scf.if %cond3A_89 {
      %swap3A_95 = arith.constant 0.000000e+00 : f32
      %swap3A_96 = arith.constant 0 : index
      %swap3A_97 = arith.constant 0 : index
      %swap3A_98 = memref.load %arg3[%swap3A_96, %swap3A_97] : memref<1x1xf32, #tpu.memory_space<smem>>
      memref.store %swap3A_95, %arg3[%swap3A_96, %swap3A_97] : memref<1x1xf32, #tpu.memory_space<smem>>
    } else {
    }
    %get3A = arith.constant 0 : index
    %get3A_90 = arith.constant 0 : index
    %get3A_91 = memref.load %arg3[%get3A, %get3A_90] : memref<1x1xf32, #tpu.memory_space<smem>>
    %add3A_92 = arith.addf %get3A_91, %reduce_sum3A_86 : f32
    %swap3A = arith.constant 0 : index
    %swap3A_93 = arith.constant 0 : index
    %swap3A_94 = memref.load %arg3[%swap3A, %swap3A_93] : memref<1x1xf32, #tpu.memory_space<smem>>
    memref.store %add3A_92, %arg3[%swap3A, %swap3A_93] : memref<1x1xf32, #tpu.memory_space<smem>>
    return
  }
  func.func @transform_0(%arg0: i32) -> (i32, i32) {
    %c0_i32 = arith.constant 0 : i32
    %c0_i32_0 = arith.constant 0 : i32
    return %arg0, %c0_i32 : i32, i32
  }
  func.func @transform_1(%arg0: i32) -> (i32, i32) {
    %c0_i32 = arith.constant 0 : i32
    %c0_i32_0 = arith.constant 0 : i32
    return %arg0, %c0_i32 : i32, i32
  }
  func.func @transform_2(%arg0: i32) -> (i32, i32) {
    %c0_i32 = arith.constant 0 : i32
    %c0_i32_0 = arith.constant 0 : i32
    %c0_i32_1 = arith.constant 0 : i32
    return %c0_i32, %c0_i32_0 : i32, i32
  }
}

</mosaic_0001>

<sc_bundles>
// kernel: kernel.4.cloned.1.call-start
scs
__scs_entry_jumppad:
0x0: {  	(pc) =	sbr.rel $0x88, $3  }
0x1: {  	(tag) =	ssettag $0x0;
	lr =	simm.s32 $0x1  }
0x2: {  	[smem:$0x3F9F] =	sst lr;
	_ =	strace $0xD0000000  }
0x3: {  	_ = 	snop  }
0x4: {  	_ = 	snop  }
0x5: {  	_ = 	snop  }
0x6: {  	_ = 	snop  }
0x7: {  	_ = 	snop  }
__scs_overlays_trampoline_lowered:
0x8: {  	[smem:$0x3FAE] =	sst s0  }
0x9: {  	[smem:$0x3FAF] =	sst s1  }
0xa: {  	[smem:$0x3FB0] =	sst s2  }
0xb: {  	[smem:$0x3FB1] =	sst s3  }
0xc: {  	[smem:$0x3FB2] =	sst s4  }
0xd: {  	[smem:$0x3FB3] =	sst s5  }
0xe: {  	[smem:$0x3FB4] =	sst s6  }
0xf: {  	[smem:$0x3FB5] =	sst s7  }
0x10: {  	[smem:$0x3FB6] =	sst s8  }
0x11: {  	[smem:$0x3FB7] =	sst s9;
	s0 =	simm.s32 @!p0 $0x0  }
0x12: {  	s1 =	sld [smem:$0x3F9D];
	s0 =	simm.s32 @p0 $0x1  }
0x13: {  	[smem:$0x3FB8] =	sst s0;
	s0 =	simm.s32 @!p1 $0x0  }
0x14: {  	s2 =	sld [smem:$0x3F9C];
	s0 =	simm.s32 @p1 $0x1  }
0x15: {  	[smem:$0x3FB9] =	sst s0;
	s0 =	simm.s32 @!p2 $0x0  }
0x16: {  	s3 =	sld [smem:$0x3FDB];
	s0 =	simm.s32 @p2 $0x1  }
0x17: {  	s4 =	simm.s32 $0x1BF5;
	[smem:$0x3FBB] =	sst s0  }
0x18: {  	s0 =	sld [smem:$0x3F9E];
	_ =	swait.ge [sflag:s4], $0x0  }
0x19: {  	s7 =	sld [smem:$0x3F9F]  }
0x1a: {  	s8 =	sadd.s32 $0xFFFFE003, lr  }
0x1b: {  	s9 =	sadd.s32 $0xFFFFFEF7, lr;
	s5 =	simm.s32 $0xFFFFFFFF;
	p2 =	slt.u32 s8, $0xFFFFF086  }
0x1c: {  	p1 =	slt.u32 s9, $0xF7A;
	s5 =	simm.s32 @!p2 $0x0  }
0x1d: {  	s5 =	simm.s32 @p1 $0x1;
	p0 =	seq.s32 s7, s2  }
0x1e: {  	s7 =	smul.u32 @!p0 $0xF7A, s2;
	p2 =	seq.s32 @!p0 s5, $0x0  }
0x1f: {  	s9 =	smul.u32 $0xF7A, s1;
	s8 =	simm.s32 @!p0 $0x1BF5;
	p2 =	por !p2, p0  }
0x20: {  	[sflag:s8] =	ssyncset.s32 @!p0 $0xFFFFF086;
	s6 =	sadd.s32 @!p0 s3, s7;
	s7 =	simm.s32 @!p0 $0x108  }
0x21: {  	s3 =	sadd.s32 s3, s9;
	s6 =	sadd.s32 @!p0 $0x88, s6;
	s7 =	simm.s32 @p2 $0x1082  }
0x22: {  	[simem:s7], [sflag:s8] =	dma.local @!p0 [hbm:s6], $0xF7A  }
0x23: {  	s9 =	sor.u32 $0xD0000000, s2;
	s6 =	simm.s32 $0x108;
	_ =	swait.ge @!p0 [sflag:s8], $0x0  }
0x24: {  	s3 =	sadd.s32 $0x88, s3;
	s6 =	simm.s32 @!p1 $0x1082;
	[sflag:s4] =	ssyncset.s32 $0xFFFFF086  }
0x25: {  	[simem:s6], [sflag:s4] =	dma.local [hbm:s3], $0xF7A  }
0x26: {  	[smem:$0x3F9F] =	sst s1;
	(tag) =	ssettag s2;
	_ =	strace s9  }
0x27: {  	s1 =	sld [smem:$0x3FAF]  }
0x28: {  	s2 =	sld [smem:$0x3FB0]  }
0x29: {  	s4 =	sld [smem:$0x3FB2]  }
0x2a: {  	p0 =	seq.s32 s5, $0x0;
	s5 =	sld [smem:$0x3FB3]  }
0x2b: {  	s6 =	sld [smem:$0x3FB4]  }
0x2c: {  	s7 =	sld [smem:$0x3FB5]  }
0x2d: {  	s3 =	simm.s32 $0x108;
	s8 =	sld [smem:$0x3FB6]  }
0x2e: {  	s3 =	simm.s32 @!p0 $0x1082;
	s9 =	sld [smem:$0x3FB7]  }
0x2f: {  	lr =	sadd.s32 s0, s3;
	s0 =	sld [smem:$0x3FAE]  }
0x30: {  	s3 =	sld [smem:$0x3FB1]  }
0x31: {  	[smem:$0x3FBA] =	sst s10  }
0x32: {  	s10 =	sld [smem:$0x3FB8];
	_ =	sdelay $0x3  }
0x33: {  	p0 =	seq.s32 s10, $0x1;
	s10 =	sld [smem:$0x3FBA];
	_ =	sdelay $0x3  }
0x34: {  	[smem:$0x3FBA] =	sst s10  }
0x35: {  	s10 =	sld [smem:$0x3FB9];
	_ =	sdelay $0x3  }
0x36: {  	p1 =	seq.s32 s10, $0x1;
	s10 =	sld [smem:$0x3FBA];
	_ =	sdelay $0x3  }
0x37: {  	[smem:$0x3FBA] =	sst s10  }
0x38: {  	s10 =	sld [smem:$0x3FBB]  }
0x39: {  	_ = 	snop;
	(pc) =	sbr.ind lr, $3  }
0x3a: {  	_ = 	snop  }
0x3b: {  	_ = 	snop  }
0x3c: {  	p2 =	seq.s32 s10, $0x1;
	s10 =	sld [smem:$0x3FBA]  }
0x3d: {  	_ =	shalt  }
0x3e: {  	_ =	shalt  }
0x3f: {  	_ =	shalt  }
0x40: {  	_ =	shalt  }
0x41: {  	_ =	shalt  }
0x42: {  	_ =	shalt  }
0x43: {  	_ =	shalt  }
0x44: {  	_ =	shalt  }
0x45: {  	_ =	shalt  }
0x46: {  	_ =	shalt  }
0x47: {  	_ =	shalt  }
0x48: {  	_ =	shalt  }
0x49: {  	_ =	shalt  }
0x4a: {  	_ =	shalt  }
0x4b: {  	_ =	shalt  }
0x4c: {  	_ =	shalt  }
0x4d: {  	_ =	shalt  }
0x4e: {  	_ =	shalt  }
0x4f: {  	_ =	shalt  }
0x50: {  	_ =	shalt  }
0x51: {  	_ =	shalt  }
0x52: {  	_ =	shalt  }
0x53: {  	_ =	shalt  }
0x54: {  	_ =	shalt  }
0x55: {  	_ =	shalt  }
0x56: {  	_ =	shalt  }
0x57: {  	_ =	shalt  }
0x58: {  	_ =	shalt  }
0x59: {  	_ =	shalt  }
0x5a: {  	_ =	shalt  }
0x5b: {  	_ =	shalt  }
0x5c: {  	_ =	shalt  }
0x5d: {  	_ =	shalt  }
0x5e: {  	_ =	shalt  }
0x5f: {  	_ =	shalt  }
0x60: {  	_ =	shalt  }
0x61: {  	_ =	shalt  }
0x62: {  	_ =	shalt  }
0x63: {  	_ =	shalt  }
0x64: {  	_ =	shalt  }
0x65: {  	_ =	shalt  }
0x66: {  	_ =	shalt  }
0x67: {  	_ =	shalt  }
0x68: {  	_ =	shalt  }
0x69: {  	_ =	shalt  }
0x6a: {  	_ =	shalt  }
0x6b: {  	_ =	shalt  }
0x6c: {  	_ =	shalt  }
0x6d: {  	_ =	shalt  }
0x6e: {  	_ =	shalt  }
0x6f: {  	_ =	shalt  }
0x70: {  	_ =	shalt  }
0x71: {  	_ =	shalt  }
0x72: {  	_ =	shalt  }
0x73: {  	_ =	shalt  }
0x74: {  	_ =	shalt  }
0x75: {  	_ =	shalt  }
0x76: {  	_ =	shalt  }
0x77: {  	_ =	shalt  }
0x78: {  	_ =	shalt  }
0x79: {  	_ =	shalt  }
0x7a: {  	_ =	shalt  }
0x7b: {  	_ =	shalt  }
0x7c: {  	_ =	shalt  }
0x7d: {  	_ =	shalt  }
0x7e: {  	_ =	shalt  }
0x7f: {  	_ =	shalt  }
0x80: {  	_ =	shalt  }
0x81: {  	_ =	shalt  }
0x82: {  	_ =	shalt  }
0x83: {  	_ =	shalt  }
0x84: {  	_ =	shalt  }
0x85: {  	_ =	shalt  }
0x86: {  	_ =	shalt  }
0x87: {  	_ =	shalt  }
.Lfunc_end0:
.L_simem_size_0:
called_computation_lowered:
.L_overlay_start_0:
0x88: {  	s2 =	sld [smem:$0x3FD9]  }
0x89: {  	s3 =	sld [smem:$0x3FFE];
	_ =	sdelay $0x1  }
0x8a: {  	s1 =	srdreg.scid  }
0x8b: {  	s0 =	sand.u32 $0x1, s1  }
0x8c: {  	s17 =	sshll.u32 s0, $0xA;
	s2 =	sadd.s32 s3, s2  }
0x8d: {  	s2 =	sadd.s32 s2, s17  }
0x8e: {  	[smem:$0x3FC6] =	sst s2  }
0x8f: {  	_ = 	snop  }
0x90: {  	s2 =	sld [smem:$0x3FC9]  }
0x91: {  	s18 =	sld [smem:$0x3FC8];
	(tm) =	ssettm $0x1  }
0x92: {  	s4 =	sld [smem:$0x3FFB];
	_ =	sdelay $0x3  }
0x93: {  	_ =	strace s4  }
0x94: {  	s4 =	sld [smem:$0x3FFC];
	_ =	sdelay $0x3  }
0x95: {  	_ =	strace s4  }
0x96: {  	s4 =	sld [smem:$0x3FFD];
	_ =	sdelay $0x3  }
0x97: {  	_ =	strace s4  }
0x98: {  	_ =	strace $0x8FFFFFFF  }
0x99: {  	s19 =	sld [smem:$0x3FDB];
	_ =	sdelay $0x1  }
0x9a: {  	s5 =	simm.s32 $_scs_section_size  }
0x9b: {  	s6 =	simm.s32 $_size__tile_overlayer_lowered;
	s7 =	simm.s32 $_tile_overlayer_lowered  }
0x9c: {  	s22 =	simm.s32 $0x1BFF;
	s21 =	sshll.u32 s7, $0x1;
	s4 =	sadd.s32 s5, s19  }
0x9d: {  	s8 =	simm.s32 $0x0;
	s20 =	sshll.u32 s6, $0x1;
	s6 =	sadd.s32 s21, s4  }
0x9e: {  	[timem:s8], [sflag:s22] =	dma.local [hbm:s6], s20  }
0x9f: {  	_ =	swait.ge [sflag:s22], s20  }
0xa0: {  	s5 =	ssub.s32 $0x0, s20;
	[sflag:s22] =	ssyncset.done $0x0  }
0xa1: {  	[sflag:s22] =	ssyncadd.s32 s5;
	_ =	sdelay $0x1  }
0xa2: {  	s23 =	simm.s32 $0x1B8B  }
0xa3: {  	_ =	swait.ge [sflag:s23], $0x1  }
0xa4: {  	[sflag:s23] =	ssyncset.done $0x0  }
0xa5: {  	s25 =	simm.s32 $0x1B8E;
	s24 =	sld [smem:$0x3FFE];
	[sflag:s23] =	ssyncadd.s32 $0xFFFFFFFF  }
0xa6: {  	s26 =	simm.s32 $execute0_lowered;
	[smem:$0x3FD2] =	sst s25  }
0xa7: {  	s6 =	sshll.u32 s26, $0x1;
	_ =	strace $0x80000046;
	[dreg:$0x1] =	wrdreg $0xFFFFFFFF  }
0xa8: {  	s28 =	simm.s32 $_size_execute0_lowered;
	s4 =	sadd.s32 s4, s6;
	[dreg:$0x0] =	wrdreg $0x0  }
0xa9: {  	s6 =	sshll.u32 s28, $0x1;
	[dreg:$0x2] =	wrdreg s4  }
0xaa: {  	[dreg:$0x3] =	wrdreg s6  }
0xab: {  	[dreg:$0x4] =	wrdreg $0xC0  }
0xac: {  	_ =	task [dreg:s8], $0x5FFFF  }
0xad: {  	[dreg:$0x1] =	wrdreg $0xFFFFFFFF  }
0xae: {  	[dreg:$0x0] =	wrdreg $0x60  }
0xaf: {  	[dreg:$0x2] =	wrdreg s2  }
0xb0: {  	[dreg:$0x3] =	wrdreg s18  }
0xb1: {  	[dreg:$0x4] =	wrdreg s24  }
0xb2: {  	[dreg:$0x5] =	wrdreg $0x9  }
0xb3: {  	_ =	task.clear_ibuf [dreg:s8], $0x6FFFF;
	_ =	strace $0x90000046  }
0xb4: {  	s29 =	simm.s32 $0x9;
	_ =	strace $0x80000048  }
0xb5: {  	_ =	swait.ge [sflag:s29], $0x1  }
0xb6: {  	[sflag:s29] =	ssyncadd.s32 $0xFFFFFFFF  }
0xb7: {  	_ =	strace $0x90000048  }
0xb8: {  	_ =	sfence  }
0xb9: {  	s30 =	sld [smem:$0x0];
	_ =	sdelay $0x2  }
0xba: {  	s31 =	sshll.u32 s1, $0xD;
	s1 =	sshrl.u32 s1, $0x2  }
0xbb: {  	s3 =	sand.u32 $0x4000, s31;
	s1 =	sadd.s32 s1, s30  }
0xbc: {  	s0 =	sor.u32 s3, s0;
	s1 =	sshll.u32 s1, $0x11  }
0xbd: {  	s0 =	sor.u32 s1, s0  }
0xbe: {  	s0 =	sadd.s32 $0x8F2B, s0  }
0xbf: {  	[sflag:s0] =	ssyncadd.remote.s32 $0x1  }
0xc0: {  	_ =	sfence.sel $0xFFFF  }
0xc1: {  	[dreg:$0x0] =	wrdreg $0xFFFFFFFF;
	(pc) =	sbr.abs _section_cstart, $3  }
0xc2: {  	[dreg:$0x1] =	wrdreg $0xFFFFFFFF  }
0xc3: {  	_ =	task.clear_ibuf [dreg:s8], $0x2FFFF;
	_ =	strace $0x9FFFFFFF  }
0xc4: {  	(tm) =	ssettm $0x7FFFFFFF  }
0xc5: {  	_ =	shalt  }
tec
execute0_lowered:
.L_overlay_start_1:
0x0: {  	(tag) =	ssettag $0x1  }
0x1: {  	s1 =	srdreg.scid;
	s8 =	rddreg [dreg:$0x2]  }
0x2: {  	s0 =	stileid.u32;
	v0 =	vimm.s32 $0xFEDCBA98;
	s3 =	simm.s32 $0x0;
	v1 =	vimm.s32 $0x76543210;
	s5 =	rddreg [dreg:$0x3]  }
0x3: {  	v2 =	vimm.s32 $0xBA98FEDC;
	v3 =	vimm.s32 $0x32107654;
	s12 =	simm.s32 $0x80;
	s13 =	simm.s32 $0x400;
	s14 =	simm.s32 $0x4000  }
0x4: {  	v4 =	vimm.s32 $0xDCFE98BA;
	v5 =	vimm.s32 $0x54761032;
	s15 =	simm.s32 $0x8000;
	s6 =	sand.u32 $0x1, s1;
	s2 =	sshll.u32 s0, $0x1  }
0x5: {  	v6 =	vimm.s32 $0xEFCDAB89;
	v7 =	vimm.s32 $0x67452301;
	s16 =	simm.s32 $0xC000;
	s17 =	simm.s32 $0x1;
	s7 =	sor.u32 s6, s2  }
0x6: {  	s18 =	simm.s32 $0x2;
	s19 =	simm.s32 $0x10000;
	v0 =	vunpack.c.l.s4.s8 v0;
	v1 =	vunpack.c.l.s4.s8 v1;
	v2 =	vunpack.c.l.s4.s8 v2;
	s4 =	smul.u32 $0x3, s7  }
0x7: {  	s20 =	simm.s32 $0x3;
	s21 =	simm.s32 $0x0;
	s1 =	rddreg [dreg:$0x0];
	v3 =	vunpack.c.l.s4.s8 v3;
	v4 =	vunpack.c.l.s4.s8 v4;
	v5 =	vunpack.c.l.s4.s8 v5  }
0x8: {  	[smem:$0x7FF] =	sst s3;
	v6 =	vunpack.c.l.s4.s8 v6;
	v7 =	vunpack.c.l.s4.s8 v7;
	s9 =	smul.u32 $0x180, s7;
	v0 =	vunpack.c.0.s8.s32 v0;
	s4 =	sadd.s32 $0x20, s4  }
0x9: {  	s2 =	rddreg [dreg:$0x1];
	s6 =	ssub.s32 $0x2, s6;
	v2 =	vunpack.c.0.s8.s32 v2;
	v3 =	vunpack.c.0.s8.s32 v3;
	v4 =	vunpack.c.0.s8.s32 v4;
	s10 =	sshll.u32 s4, $0xF  }
0xa: {  	_ =	strace $0x80000047;
	s30 =	sshrl.u32 s6, $0x1;
	v5 =	vunpack.c.0.s8.s32 v5;
	v6 =	vunpack.c.0.s8.s32 v6;
	v7 =	vunpack.c.0.s8.s32 v7;
	s9 =	sor.u32 s9, s10  }
0xb: {  	s7 =	sshll.u32 s7, $0x4;
	v1 =	vunpack.c.0.s8.s32 v1;
	s11 =	ssub.s32 s6, s30;
	v2 =	vcombine.low v3, v2;
	s9 =	sand.u32 $0x7FFC0380, s9  }
0xc: {  	s29 =	sadd.s32 s7, s8;
	s11 =	smax.u32 s11, $0x1;
	v3 =	vcombine.low v5, v4;
	v4 =	vcombine.low v7, v6;
	v0 =	vand.u32 $0xF, v0;
	s31 =	sshrl.u32 s9, $0x3  }
0xd: {  	v0 =	vcombine.low v0, v1;
	s10 =	sadd.s32 $0x200, s29;
	v1 =	vand.u32 $0xF, v2;
	s6 =	sadd.s32 s1, s31;
	s9 =	sor.u32 $0x4000, s31  }
0xe: {  	v2 =	vand.u32 $0xF, v3;
	v3 =	vand.u32 $0xF, v4;
	v4 =	vlaneseq.u32;
	s7 =	sadd.s32 s2, s31;
	s8 =	sadd.s32 s1, s9;
	s9 =	sadd.s32 s2, s9  }
.LBB2_1:
0xf: {  	[tilespmem:s3], [sflag:$0x1] =	stream.strided.gather [hbm4b:s6+s12], $0x4000, s13, s12, $0x38;
	[tilespmem:$0x10080] =	vst v63  }
0x10: {  	_ = 	snop  }
0x11: {  	[tilespmem:s14], [sflag:$0x1] =	stream.strided.gather [hbm4b:s7+s12], $0x4000, s13, s12, $0x38;
	[tilespmem:$0x10080] =	vst v63  }
0x12: {  	_ = 	snop  }
0x13: {  	[tilespmem:s15], [sflag:$0x2] =	stream.strided.gather [hbm4b:s8+s12], $0x4000, s13, s12, $0x38;
	[tilespmem:$0x10080] =	vst v63  }
0x14: {  	s23 =	simm.s32 $0x0  }
0x15: {  	v5 =	vimm.f32 $0.0e+00;
	[tilespmem:s16], [sflag:$0x2] =	stream.strided.gather [hbm4b:s9+s12], $0x4000, s13, s12, $0x38;
	[tilespmem:$0x10080] =	vst v63  }
.LBB2_2:
0x16: {  	_ =	swait.ge [sflag:s17], $0x4000  }
0x17: {  	[sflag:s17] =	ssyncset.done $0x0  }
0x18: {  	[sflag:s17] =	ssyncadd.s32 $0xFFFFC000  }
0x19: {  	_ =	swait.ge [sflag:s17], $0x4000  }
0x1a: {  	[sflag:s17] =	ssyncset.done $0x0  }
0x1b: {  	s22 =	simm.s32 $0x0;
	[sflag:s17] =	ssyncadd.s32 $0xFFFFC000  }
0x1c: {  	v6 =	vld [tilespmem:s22+$0x4000]  }
0x1d: {  	v7 =	vld [tilespmem:s22+$0x0]  }
0x1e: {  	v8 =	vld [tilespmem:s22+$0x4010]  }
0x1f: {  	v16 =	vld [tilespmem:s22+$0x10]  }
0x20: {  	v10 =	vimm.f32 $-Inf  }
0x21: {  	v9 =	vld [tilespmem:s22+$0x4020];
	v12 =	vmax.f32 v10, v6;
	v6 =	vmin.f32 v10, v6  }
0x22: {  	v13 =	vld [tilespmem:s22+$0x4030];
	v14 =	vmin.f32 v10, v7;
	v7 =	vmax.f32 v10, v7;
	v15 =	vmax.f32 v10, v6  }
0x23: {  	v19 =	vld [tilespmem:s22+$0x4040];
	v6 =	vmin.f32 v10, v6;
	v17 =	vmin.f32 v10, v14;
	v18 =	vmin.f32 v12, v8  }
0x24: {  	v11 =	vld [tilespmem:s22+$0x4050];
	v14 =	vmax.f32 v10, v14;
	v8 =	vmax.f32 v12, v8;
	v12 =	vmax.f32 v7, v16  }
0x25: {  	v7 =	vmin.f32 v7, v16;
	v20 =	vmax.f32 v15, v18;
	v15 =	vmin.f32 v15, v18;
	v18 =	vld [tilespmem:s22+$0x20]  }
0x26: {  	v6 =	vmax.f32 v10, v6;
	v17 =	vmax.f32 v10, v17;
	v10 =	vmax.f32 v8, v9  }
0x27: {  	v8 =	vmin.f32 v8, v9;
	v6 =	vmax.f32 v6, v15;
	v15 =	vld [tilespmem:s22+$0x30];
	v16 =	vmax.f32 v10, v13  }
0x28: {  	v9 =	vld [tilespmem:s22+$0x4060];
	v21 =	vmax.f32 v14, v7;
	v7 =	vmin.f32 v14, v7;
	v14 =	vmax.f32 v16, v19  }
0x29: {  	v24 =	vld [tilespmem:s22+$0x40];
	v17 =	vmax.f32 v17, v7;
	v16 =	vmin.f32 v16, v19;
	v7 =	vmin.f32 v14, v11  }
0x2a: {  	v22 =	vld [tilespmem:s22+$0x4070];
	v11 =	vmax.f32 v14, v11;
	v14 =	vmin.f32 v20, v8;
	v23 =	vmin.f32 v12, v18  }
0x2b: {  	v19 =	vld [tilespmem:s22+$0x50];
	v12 =	vmax.f32 v12, v18;
	v25 =	vmax.f32 v21, v23;
	v21 =	vmin.f32 v21, v23  }
0x2c: {  	v18 =	vmax.f32 v12, v15;
	v23 =	vmax.f32 v6, v14;
	v15 =	vmin.f32 v12, v15  }
0x2d: {  	v17 =	vmax.f32 v17, v21;
	v21 =	vmax.f32 v11, v9;
	v26 =	vmax.f32 v25, v15  }
0x2e: {  	v28 =	vld [tilespmem:s22+$0x60];
	v27 =	vmax.f32 v18, v24;
	v9 =	vmin.f32 v11, v9;
	v11 =	vmin.f32 v10, v13  }
0x2f: {  	v14 =	vld [tilespmem:s22+$0x70];
	v24 =	vmin.f32 v18, v24;
	v13 =	vmax.f32 v20, v8;
	v10 =	vmin.f32 v25, v15  }
0x30: {  	v6 =	vmin.f32 v21, v22;
	v12 =	vmin.f32 v27, v19;
	v8 =	vmax.f32 v21, v22  }
0x31: {  	v10 =	vmax.f32 v17, v10;
	v15 =	vmax.f32 v13, v11;
	v11 =	vmin.f32 v13, v11  }
0x32: {  	v13 =	vmin.f32 v26, v24;
	v18 =	vmax.f32 v27, v19;
	v20 =	vmax.f32 v26, v24  }
0x33: {  	v11 =	vmax.f32 v23, v11;
	v17 =	vmax.f32 v15, v16;
	v19 =	vmax.f32 v18, v28  }
0x34: {  	s22 =	simm.s32 $0x200;
	v18 =	vmin.f32 v18, v28;
	v16 =	vmin.f32 v15, v16;
	v15 =	vmin.f32 v19, v14  }
.LBB2_3:
0x35: {  	s24 =	sshra.s32 s22, $0x2;
	p0 =	sne.s32 s22, $0xFE00;
	s22 =	sadd.s32 $0x200, s22;
	v21 =	vmax.f32 v20, v12;
	v22 =	vmax.f32 v17, v7;
	v14 =	vmax.f32 v19, v14  }
0x36: {  	v12 =	vmin.f32 v20, v12;
	v19 =	vld [tilespmem:s24+$0x4010];
	v20 =	vmax.f32 v21, v18;
	v23 =	vmax.f32 v22, v9  }
0x37: {  	v7 =	vmin.f32 v17, v7;
	v17 =	vmin.f32 v21, v18;
	v24 =	vld [tilespmem:s24+$0x4000];
	v18 =	vmin.f32 v20, v15  }
0x38: {  	v10 =	vmax.f32 v10, v13;
	v11 =	vmax.f32 v11, v16;
	v13 =	vmax.f32 v20, v15;
	v21 =	vld [tilespmem:s24+$0x0]  }
0x39: {  	v10 =	vmax.f32 v10, v12;
	v7 =	vmax.f32 v11, v7;
	v9 =	vmin.f32 v22, v9;
	v15 =	vld [tilespmem:s24+$0x4020]  }
0x3a: {  	v10 =	vmax.f32 v10, v17;
	v7 =	vmax.f32 v7, v9;
	v9 =	vmin.f32 v23, v6  }
0x3b: {  	v6 =	vmax.f32 v23, v6;
	v10 =	vmax.f32 v10, v18;
	v7 =	vmax.f32 v7, v9;
	v11 =	vld [tilespmem:s24+$0x4050]  }
0x3c: {  	v9 =	vmax.f32 v8, v24;
	v8 =	vmin.f32 v8, v24;
	v12 =	vld [tilespmem:s24+$0x4030]  }
0x3d: {  	v16 =	vmin.f32 v14, v21;
	v17 =	vmax.f32 v6, v8;
	v6 =	vmin.f32 v6, v8;
	v8 =	vld [tilespmem:s24+$0x10]  }
0x3e: {  	v18 =	vmin.f32 v13, v16;
	v6 =	vmax.f32 v7, v6;
	v7 =	vmin.f32 v9, v19;
	v20 =	vld [tilespmem:s24+$0x4040]  }
0x3f: {  	v10 =	vmax.f32 v10, v18;
	v18 =	vmax.f32 v17, v7;
	v7 =	vmin.f32 v17, v7;
	v17 =	vld [tilespmem:s24+$0x20]  }
0x40: {  	v13 =	vmax.f32 v13, v16;
	v9 =	vmax.f32 v9, v19;
	v6 =	vmax.f32 v6, v7  }
0x41: {  	v7 =	vmax.f32 v14, v21;
	v14 =	vmax.f32 v9, v15;
	v15 =	vmin.f32 v9, v15;
	v9 =	vld [tilespmem:s24+$0x4060]  }
0x42: {  	v19 =	vmax.f32 v14, v12;
	v16 =	vmax.f32 v7, v8;
	v7 =	vmin.f32 v7, v8;
	v8 =	vld [tilespmem:s24+$0x30]  }
0x43: {  	v21 =	vmax.f32 v13, v7;
	v7 =	vmin.f32 v13, v7;
	v13 =	vmax.f32 v19, v20;
	v22 =	vld [tilespmem:s24+$0x4070]  }
0x44: {  	v10 =	vmax.f32 v10, v7;
	v23 =	vmin.f32 v16, v17;
	v24 =	vld [tilespmem:s24+$0x40];
	v7 =	vmin.f32 v13, v11  }
0x45: {  	v25 =	vmax.f32 v21, v23;
	v21 =	vmin.f32 v21, v23;
	v23 =	vmin.f32 v19, v20;
	v19 =	vld [tilespmem:s24+$0x50]  }
0x46: {  	v16 =	vmax.f32 v16, v17;
	v11 =	vmax.f32 v13, v11;
	v10 =	vmax.f32 v10, v21  }
0x47: {  	v13 =	vmin.f32 v18, v15;
	v20 =	vmax.f32 v11, v9;
	v17 =	vmax.f32 v16, v8  }
0x48: {  	v13 =	vmax.f32 v6, v13;
	v8 =	vmin.f32 v16, v8;
	v6 =	vmin.f32 v20, v22  }
0x49: {  	v9 =	vmin.f32 v11, v9;
	v16 =	vmax.f32 v25, v8;
	v21 =	vmax.f32 v17, v24;
	v26 =	vld [tilespmem:s24+$0x60]  }
0x4a: {  	v11 =	vmin.f32 v14, v12;
	v24 =	vmin.f32 v17, v24;
	v12 =	vmin.f32 v21, v19;
	v14 =	vld [tilespmem:s24+$0x70]  }
.Ltmp0:
0x4b: {  	v15 =	vmax.f32 v18, v15;
	v17 =	vmin.f32 v25, v8;
	v8 =	vmax.f32 v20, v22;
	(pc) =	sbr.rel @p0 .LBB2_3-.Ltmp0, $4  }
0x4c: {  	v22 =	vmax.f32 v15, v11;
	v11 =	vmin.f32 v15, v11;
	v10 =	vmax.f32 v10, v17  }
0x4d: {  	v11 =	vmax.f32 v13, v11;
	v13 =	vmin.f32 v16, v24;
	v15 =	vmax.f32 v21, v19  }
0x4e: {  	v17 =	vmax.f32 v22, v23;
	v19 =	vmax.f32 v15, v26;
	v18 =	vmin.f32 v15, v26  }
0x4f: {  	v20 =	vmax.f32 v16, v24;
	v16 =	vmin.f32 v22, v23;
	v15 =	vmin.f32 v19, v14  }
0x50: {  	s22 =	sadd.s32 s4, s23;
	p0 =	seq.s32 s23, $0x2  }
0x51: {  	s22 =	sadd.s32 @!p0 $0x1, s22  }
0x52: {  	s24 =	sshll.u32 @!p0 s22, $0xF;
	s22 =	sshll.u32 @!p0 s22, $0x7  }
0x53: {  	s24 =	sand.u32 @!p0 $0x7FFC0000, s24;
	s22 =	sand.u32 @!p0 $0x380, s22  }
0x54: {  	s22 =	sor.u32 @!p0 s22, s24  }
0x55: {  	s25 =	simm.s32 @!p0 $0x80;
	s22 =	sshrl.u32 @!p0 s22, $0x3  }
0x56: {  	s26 =	simm.s32 @!p0 $0x400;
	s28 =	simm.s32 @!p0 $0x0;
	s24 =	sadd.s32 @!p0 s1, s22  }
0x57: {  	[tilespmem:s28], [sflag:$0x1] =	stream.strided.gather @!p0 [hbm4b:s24+s25], $0x4000, s26, s25, $0x38;
	[tilespmem:$0x10080] =	vst v63  }
0x58: {  	s24 =	sadd.s32 @!p0 s2, s22;
	s28 =	simm.s32 @!p0 $0x4000  }
0x59: {  	[tilespmem:s28], [sflag:$0x1] =	stream.strided.gather @!p0 [hbm4b:s24+s25], $0x4000, s26, s25, $0x38;
	[tilespmem:$0x10080] =	vst v63  }
0x5a: {  	_ =	swait.ge [sflag:s18], $0x4000  }
0x5b: {  	[sflag:s18] =	ssyncset.done $0x0  }
0x5c: {  	[sflag:s18] =	ssyncadd.s32 $0xFFFFC000  }
0x5d: {  	_ =	swait.ge [sflag:s18], $0x4000  }
0x5e: {  	v21 =	vmax.f32 v20, v12;
	v22 =	vmax.f32 v17, v7;
	[sflag:s18] =	ssyncset.done $0x0  }
0x5f: {  	v14 =	vmax.f32 v19, v14;
	v12 =	vmin.f32 v20, v12;
	s31 =	simm.s32 $0x0;
	v7 =	vmin.f32 v17, v7;
	[sflag:s18] =	ssyncadd.s32 $0xFFFFC000  }
0x60: {  	v10 =	vmax.f32 v10, v13;
	v19 =	vmax.f32 v21, v18;
	v17 =	vmin.f32 v21, v18;
	v18 =	vld [tilespmem:s31+$0xC000]  }
0x61: {  	v11 =	vmax.f32 v11, v16;
	v20 =	vmax.f32 v22, v9;
	v10 =	vmax.f32 v10, v12;
	v13 =	vld [tilespmem:s31+$0x8000]  }
0x62: {  	v7 =	vmax.f32 v11, v7;
	v9 =	vmin.f32 v22, v9;
	v21 =	vmin.f32 v19, v15;
	v11 =	vld [tilespmem:s31+$0xC010]  }
0x63: {  	v12 =	vmax.f32 v19, v15;
	v10 =	vmax.f32 v10, v17;
	v7 =	vmax.f32 v7, v9  }
0x64: {  	v15 =	vmin.f32 v20, v6;
	v6 =	vmax.f32 v20, v6;
	v10 =	vmax.f32 v10, v21;
	v9 =	vld [tilespmem:s31+$0xC020]  }
0x65: {  	v7 =	vmax.f32 v7, v15;
	v17 =	vld [tilespmem:s31+$0xC030];
	v15 =	vmax.f32 v8, v18;
	v8 =	vmin.f32 v8, v18  }
0x66: {  	v18 =	vmin.f32 v14, v13;
	v19 =	vmax.f32 v6, v8;
	v6 =	vmin.f32 v6, v8;
	v8 =	vld [tilespmem:s31+$0x8010]  }
0x67: {  	v21 =	vld [tilespmem:s31+$0xC040];
	v20 =	vmin.f32 v12, v18;
	v6 =	vmax.f32 v7, v6;
	v7 =	vmin.f32 v15, v11  }
0x68: {  	v10 =	vmax.f32 v10, v20;
	v20 =	vmax.f32 v19, v7;
	v7 =	vmin.f32 v19, v7;
	v19 =	vld [tilespmem:s31+$0x8020]  }
0x69: {  	v16 =	vld [tilespmem:s31+$0xC050];
	v12 =	vmax.f32 v12, v18;
	v11 =	vmax.f32 v15, v11;
	v6 =	vmax.f32 v6, v7  }
0x6a: {  	v7 =	vmax.f32 v14, v13;
	v13 =	vmax.f32 v11, v9;
	v9 =	vmin.f32 v11, v9;
	v11 =	vld [tilespmem:s31+$0xC060]  }
0x6b: {  	v15 =	vmax.f32 v13, v17;
	v14 =	vmax.f32 v7, v8;
	v7 =	vmin.f32 v7, v8;
	v8 =	vld [tilespmem:s31+$0x8030]  }
0x6c: {  	v18 =	vmax.f32 v12, v7;
	v7 =	vmin.f32 v12, v7;
	v12 =	vmax.f32 v15, v21  }
0x6d: {  	v22 =	vld [tilespmem:s31+$0xC070];
	v15 =	vmin.f32 v15, v21;
	v10 =	vmax.f32 v10, v7;
	v23 =	vmin.f32 v14, v19  }
0x6e: {  	v24 =	vld [tilespmem:s31+$0x8040];
	v7 =	vmin.f32 v12, v16;
	v25 =	vmax.f32 v18, v23;
	v18 =	vmin.f32 v18, v23  }
0x6f: {  	v21 =	vld [tilespmem:s31+$0x8050];
	v14 =	vmax.f32 v14, v19;
	v18 =	vmax.f32 v10, v18;
	v10 =	vmax.f32 v12, v16  }
0x70: {  	v12 =	vmin.f32 v20, v9;
	v16 =	vmax.f32 v14, v8;
	v23 =	vmax.f32 v10, v11  }
0x71: {  	v12 =	vmax.f32 v6, v12;
	v14 =	vmin.f32 v14, v8;
	v8 =	vmin.f32 v10, v11  }
0x72: {  	v28 =	vld [tilespmem:s31+$0x8060];
	v11 =	vmin.f32 v13, v17;
	v6 =	vmin.f32 v23, v22;
	v26 =	vmax.f32 v25, v14  }
0x73: {  	v19 =	vld [tilespmem:s31+$0x8070];
	v27 =	vmax.f32 v16, v24;
	v17 =	vmin.f32 v16, v24;
	v16 =	vmax.f32 v20, v9  }
0x74: {  	v9 =	vmin.f32 v25, v14;
	v13 =	vmax.f32 v23, v22;
	v10 =	vmin.f32 v27, v21  }
0x75: {  	v9 =	vmax.f32 v18, v9;
	v22 =	vmax.f32 v16, v11;
	v11 =	vmin.f32 v16, v11  }
0x76: {  	v16 =	vmax.f32 v27, v21;
	v18 =	vmax.f32 v26, v17;
	v11 =	vmax.f32 v12, v11  }
0x77: {  	v12 =	vmin.f32 v26, v17;
	v14 =	vmax.f32 v22, v15;
	v20 =	vmax.f32 v16, v28  }
0x78: {  	s23 =	sadd.s32 $0x1, s23;
	s24 =	simm.s32 $0x200;
	v16 =	vmin.f32 v16, v28;
	v15 =	vmin.f32 v22, v15;
	v17 =	vmin.f32 v20, v19  }
.LBB2_5:
0x79: {  	s25 =	sshra.s32 s24, $0x2;
	p1 =	sne.s32 s24, $0xFE00;
	s24 =	sadd.s32 $0x200, s24;
	v21 =	vmax.f32 v18, v10;
	v22 =	vmax.f32 v14, v7;
	v19 =	vmax.f32 v20, v19  }
0x7a: {  	v10 =	vmin.f32 v18, v10;
	v20 =	vld [tilespmem:s25+$0xC010];
	v18 =	vmax.f32 v21, v16;
	v23 =	vmax.f32 v22, v8  }
0x7b: {  	v7 =	vmin.f32 v14, v7;
	v14 =	vmin.f32 v21, v16;
	v24 =	vld [tilespmem:s25+$0xC000];
	v16 =	vmin.f32 v18, v17  }
0x7c: {  	v9 =	vmax.f32 v9, v12;
	v11 =	vmax.f32 v11, v15;
	v12 =	vmax.f32 v18, v17;
	v21 =	vld [tilespmem:s25+$0x8000]  }
0x7d: {  	v9 =	vmax.f32 v9, v10;
	v7 =	vmax.f32 v11, v7;
	v8 =	vmin.f32 v22, v8;
	v15 =	vld [tilespmem:s25+$0xC020]  }
0x7e: {  	v9 =	vmax.f32 v9, v14;
	v7 =	vmax.f32 v7, v8;
	v8 =	vmin.f32 v23, v6  }
0x7f: {  	v6 =	vmax.f32 v23, v6;
	v9 =	vmax.f32 v9, v16;
	v7 =	vmax.f32 v7, v8;
	v10 =	vld [tilespmem:s25+$0xC050]  }
0x80: {  	v8 =	vmax.f32 v13, v24;
	v11 =	vmin.f32 v13, v24;
	v13 =	vld [tilespmem:s25+$0xC030]  }
0x81: {  	v14 =	vmin.f32 v19, v21;
	v16 =	vmax.f32 v6, v11;
	v6 =	vmin.f32 v6, v11;
	v11 =	vld [tilespmem:s25+$0x8010]  }
0x82: {  	v17 =	vmin.f32 v12, v14;
	v6 =	vmax.f32 v7, v6;
	v7 =	vmin.f32 v8, v20;
	v18 =	vld [tilespmem:s25+$0xC040]  }
0x83: {  	v9 =	vmax.f32 v9, v17;
	v17 =	vmax.f32 v16, v7;
	v7 =	vmin.f32 v16, v7;
	v16 =	vld [tilespmem:s25+$0x8020]  }
0x84: {  	v12 =	vmax.f32 v12, v14;
	v8 =	vmax.f32 v8, v20;
	v6 =	vmax.f32 v6, v7  }
0x85: {  	v14 =	vmax.f32 v8, v15;
	v15 =	vmin.f32 v8, v15;
	v7 =	vmax.f32 v19, v21;
	v8 =	vld [tilespmem:s25+$0xC060]  }
0x86: {  	v20 =	vmax.f32 v14, v13;
	v19 =	vmax.f32 v7, v11;
	v7 =	vmin.f32 v7, v11;
	v11 =	vld [tilespmem:s25+$0x8030]  }
0x87: {  	v21 =	vmax.f32 v12, v7;
	v7 =	vmin.f32 v12, v7;
	v12 =	vmax.f32 v20, v18;
	v22 =	vld [tilespmem:s25+$0xC070]  }
0x88: {  	v9 =	vmax.f32 v9, v7;
	v23 =	vmin.f32 v19, v16;
	v24 =	vld [tilespmem:s25+$0x8040];
	v7 =	vmin.f32 v12, v10  }
0x89: {  	v25 =	vmax.f32 v21, v23;
	v21 =	vmin.f32 v21, v23;
	v23 =	vmin.f32 v20, v18;
	v18 =	vld [tilespmem:s25+$0x8050]  }
0x8a: {  	v16 =	vmax.f32 v19, v16;
	v10 =	vmax.f32 v12, v10;
	v9 =	vmax.f32 v9, v21  }
0x8b: {  	v12 =	vmin.f32 v17, v15;
	v20 =	vmax.f32 v10, v8;
	v19 =	vmax.f32 v16, v11  }
0x8c: {  	v12 =	vmax.f32 v6, v12;
	v11 =	vmin.f32 v16, v11;
	v6 =	vmin.f32 v20, v22  }
0x8d: {  	v8 =	vmin.f32 v10, v8;
	v21 =	vmax.f32 v25, v11;
	v16 =	vmax.f32 v19, v24;
	v26 =	vld [tilespmem:s25+$0x8060]  }
0x8e: {  	v14 =	vmin.f32 v14, v13;
	v24 =	vmin.f32 v19, v24;
	v10 =	vmin.f32 v16, v18;
	v19 =	vld [tilespmem:s25+$0x8070]  }
.Ltmp1:
0x8f: {  	v15 =	vmax.f32 v17, v15;
	v11 =	vmin.f32 v25, v11;
	v13 =	vmax.f32 v20, v22;
	(pc) =	sbr.rel @p1 .LBB2_5-.Ltmp1, $4  }
0x90: {  	v17 =	vmax.f32 v15, v14;
	v9 =	vmax.f32 v9, v11;
	v11 =	vmin.f32 v15, v14  }
0x91: {  	v11 =	vmax.f32 v12, v11;
	v12 =	vmin.f32 v21, v24;
	v15 =	vmax.f32 v16, v18  }
0x92: {  	v14 =	vmax.f32 v17, v23;
	v20 =	vmax.f32 v15, v26;
	v16 =	vmin.f32 v15, v26  }
0x93: {  	v18 =	vmax.f32 v21, v24;
	v15 =	vmin.f32 v17, v23;
	v17 =	vmin.f32 v20, v19  }
0x94: {  	v19 =	vmax.f32 v20, v19  }
0x95: {  	v21 =	vperm.xlane v13, v0;
	v20 =	vperm.xlane v19, v0;
	_ =	sdelay $0x1  }
0x96: {  	v21 =	vmax.f32 v13, v21;
	v20 =	vmax.f32 v19, v20  }
0x97: {  	v23 =	vperm.xlane v21, v1;
	v22 =	vperm.xlane v20, v1;
	_ =	sdelay $0x1  }
0x98: {  	v21 =	vmax.f32 v21, v23;
	v20 =	vmax.f32 v20, v22  }
0x99: {  	v23 =	vperm.xlane v21, v2;
	v22 =	vperm.xlane v20, v2;
	_ =	sdelay $0x1  }
0x9a: {  	v21 =	vmax.f32 v21, v23;
	v20 =	vmax.f32 v20, v22  }
0x9b: {  	v23 =	vperm.xlane v21, v3;
	v22 =	vperm.xlane v20, v3;
	_ =	sdelay $0x1  }
0x9c: {  	v21 =	vmax.f32 v21, v23;
	v20 =	vmax.f32 v20, v22  }
0x9d: {  	vm1 =	veq.f32 v13, v21;
	vm0 =	veq.f32 v19, v20  }
0x9e: {  	v40 =	vnsel vm1, $0x10, v4;
	v39 =	vnsel vm0, $0x10, v4  }
0x9f: {  	v25 =	vperm.xlane v40, v0;
	v24 =	vperm.xlane v39, v0;
	_ =	sdelay $0x1  }
0xa0: {  	vm1 =	vlt.s32 v40, v25;
	vm0 =	vlt.s32 v39, v24  }
0xa1: {  	v23 =	vsel vm1, v40, v25;
	v22 =	vsel vm0, v39, v24  }
0xa2: {  	v25 =	vperm.xlane v23, v1;
	v24 =	vperm.xlane v22, v1;
	_ =	sdelay $0x1  }
0xa3: {  	vm1 =	vlt.s32 v23, v25;
	vm0 =	vlt.s32 v22, v24  }
0xa4: {  	v23 =	vsel vm1, v23, v25;
	v22 =	vsel vm0, v22, v24  }
0xa5: {  	v25 =	vperm.xlane v23, v2;
	v24 =	vperm.xlane v22, v2;
	_ =	sdelay $0x1  }
0xa6: {  	vm1 =	vlt.s32 v23, v25;
	vm0 =	vlt.s32 v22, v24  }
0xa7: {  	v23 =	vsel vm1, v23, v25;
	v22 =	vsel vm0, v22, v24  }
0xa8: {  	v41 =	vmax.f32 v18, v10;
	v26 =	vperm.xlane v23, v3;
	v42 =	vperm.xlane v22, v3  }
0xa9: {  	v27 =	vmax.f32 v14, v7;
	v28 =	vmax.f32 v41, v16  }
0xaa: {  	v29 =	vmax.f32 v27, v8;
	vm1 =	vlt.s32 v23, v26;
	vm0 =	vlt.s32 v22, v42  }
0xab: {  	v30 =	vmax.f32 v28, v17;
	v23 =	vsel vm1, v23, v26;
	v22 =	vsel vm0, v22, v42  }
0xac: {  	v43 =	vmax.f32 v29, v6;
	vm11 =	veq.s32 v23, v4;
	vm10 =	veq.s32 v22, v4  }
0xad: {  	v44 =	vsel vm11, v43, v13;
	v19 =	vsel vm10, v30, v19  }
0xae: {  	v46 =	vperm.xlane v44, v0;
	v45 =	vperm.xlane v19, v0;
	_ =	sdelay $0x1  }
0xaf: {  	v23 =	vmax.f32 v44, v46;
	v22 =	vmax.f32 v19, v45  }
0xb0: {  	v31 =	vperm.xlane v23, v1;
	v47 =	vperm.xlane v22, v1;
	_ =	sdelay $0x1  }
0xb1: {  	v23 =	vmax.f32 v23, v31;
	v22 =	vmax.f32 v22, v47  }
0xb2: {  	v31 =	vperm.xlane v23, v2;
	v26 =	vperm.xlane v22, v2;
	_ =	sdelay $0x1  }
0xb3: {  	v23 =	vmax.f32 v23, v31;
	v22 =	vmax.f32 v22, v26  }
0xb4: {  	v31 =	vperm.xlane v23, v3;
	v26 =	vperm.xlane v22, v3;
	_ =	sdelay $0x1  }
0xb5: {  	v23 =	vmax.f32 v23, v31;
	v22 =	vmax.f32 v22, v26  }
0xb6: {  	vm3 =	veq.f32 v44, v23;
	vm2 =	veq.f32 v19, v22  }
0xb7: {  	v49 =	vnsel vm3, $0x10, v4;
	v48 =	vnsel vm2, $0x10, v4  }
0xb8: {  	v33 =	vperm.xlane v49, v0;
	v32 =	vperm.xlane v48, v0;
	_ =	sdelay $0x1  }
0xb9: {  	vm3 =	vlt.s32 v49, v33;
	vm2 =	vlt.s32 v48, v32  }
0xba: {  	v31 =	vsel vm3, v49, v33;
	v26 =	vsel vm2, v48, v32  }
0xbb: {  	v33 =	vperm.xlane v31, v1;
	v32 =	vperm.xlane v26, v1  }
0xbc: {  	v50 =	vmin.f32 v18, v10  }
0xbd: {  	v7 =	vmin.f32 v14, v7;
	vm3 =	vlt.s32 v31, v33;
	vm2 =	vlt.s32 v26, v32  }
0xbe: {  	v9 =	vmax.f32 v9, v12;
	v31 =	vsel vm3, v31, v33;
	v26 =	vsel vm2, v26, v32  }
0xbf: {  	v11 =	vmax.f32 v11, v15;
	v33 =	vperm.xlane v31, v2;
	v32 =	vperm.xlane v26, v2  }
0xc0: {  	v51 =	vmin.f32 v41, v16;
	v9 =	vmax.f32 v9, v50;
	v7 =	vmax.f32 v11, v7  }
0xc1: {  	v54 =	vmin.f32 v27, v8;
	vm3 =	vlt.s32 v31, v33;
	vm2 =	vlt.s32 v26, v32  }
0xc2: {  	v52 =	vmin.f32 v28, v17;
	v31 =	vsel vm3, v31, v33;
	v26 =	vsel vm2, v26, v32  }
0xc3: {  	v9 =	vmax.f32 v9, v51;
	v55 =	vperm.xlane v31, v3;
	v53 =	vperm.xlane v26, v3  }
0xc4: {  	v7 =	vmax.f32 v7, v54;
	v6 =	vmin.f32 v29, v6;
	v9 =	vmax.f32 v9, v52  }
0xc5: {  	v6 =	vmax.f32 v7, v6;
	vm13 =	vlt.s32 v31, v55;
	vm12 =	vlt.s32 v26, v53  }
0xc6: {  	v6 =	vsel vm11, v6, v43;
	v7 =	vsel vm13, v31, v55;
	v56 =	vsel vm12, v26, v53  }
0xc7: {  	v9 =	vsel vm10, v9, v30;
	vm15 =	veq.s32 v7, v4;
	vm14 =	veq.s32 v56, v4  }
0xc8: {  	v6 =	vsel vm15, v6, v44;
	v8 =	vsel vm14, v9, v19  }
0xc9: {  	v57 =	vperm.xlane v6, v0;
	v7 =	vperm.xlane v8, v0;
	_ =	sdelay $0x1  }
0xca: {  	v6 =	vmax.f32 v6, v57;
	v7 =	vmax.f32 v8, v7  }
0xcb: {  	v9 =	vperm.xlane v6, v1;
	v8 =	vperm.xlane v7, v1;
	_ =	sdelay $0x1  }
0xcc: {  	v58 =	vsub.f32 v20, v21;
	v6 =	vmax.f32 v6, v9;
	v7 =	vmax.f32 v7, v8  }
0xcd: {  	s22 =	sor.u32 @!p0 $0x4000, s22;
	s25 =	simm.s32 @!p0 $0x80;
	v9 =	vperm.xlane v6, v2;
	v8 =	vperm.xlane v7, v2  }
0xce: {  	s26 =	simm.s32 @!p0 $0x400;
	s28 =	simm.s32 @!p0 $0x8000;
	s24 =	sadd.s32 @!p0 s1, s22;
	v60 =	vmul.f32 $9.000000000e+00, v58  }
0xcf: {  	[tilespmem:s28], [sflag:$0x2] =	stream.strided.gather @!p0 [hbm4b:s24+s25], $0x4000, s26, s25, $0x38;
	v59 =	vsub.f32 v22, v23;
	v6 =	vmax.f32 v6, v9;
	v7 =	vmax.f32 v7, v8;
	[tilespmem:$0x10080] =	vst v63  }
0xd0: {  	s22 =	sadd.s32 @!p0 s2, s22;
	s24 =	simm.s32 @!p0 $0xC000;
	v62 =	vperm.xlane v6, v3;
	v61 =	vperm.xlane v7, v3  }
0xd1: {  	[tilespmem:s24], [sflag:$0x2] =	stream.strided.gather @!p0 [hbm4b:s22+s25], $0x4000, s26, s25, $0x38;
	v63 =	vmul.f32 $4.000000000e+00, v59;
	v9 =	vmul.f32 v60, v58;
	[tilespmem:$0x10080] =	vst v63  }
0xd2: {  	p0 =	sne.s32 s23, $0x3;
	v6 =	vmax.f32 v6, v62;
	v7 =	vmax.f32 v7, v61  }
.Ltmp2:
0xd3: {  	v5 =	vadd.f32 v9, v5;
	v6 =	vsub.f32 v7, v6;
	v7 =	vmul.f32 v63, v59;
	(pc) =	sbr.rel @p0 .LBB2_2-.Ltmp2, $3  }
0xd4: {  	_ = 	snop  }
0xd5: {  	v5 =	vadd.f32 v7, v5;
	v6 =	vmul.f32 v6, v6;
	_ =	sdelay $0x1  }
0xd6: {  	v5 =	vadd.f32 v6, v5  }
0xd7: {  	s21 =	sadd.s32 $0x1, s21  }
0xd8: {  	p0 =	sne.s32 s21, s11  }
.Ltmp3:
0xd9: {  	[tilespmem:$0x10000] =	vst v5;
	(pc) =	sbr.rel @p0 .LBB2_1-.Ltmp3, $4  }
0xda: {  	[hbm4b:s10+s3] =	stream.linear.scatter [tilespmem:s19], [sflag:$0x3], $0x80, $0x38;
	[tilespmem:$0x10080] =	vst v63  }
0xdb: {  	_ =	swait.ge [sflag:s20], $0x80  }
0xdc: {  	[sflag:s20] =	ssyncset.done $0x0  }
0xdd: {  	[sflag:s20] =	ssyncadd.s32 $0xFFFFFF80  }
0xde: {  	_ =	sfence.sel $0x180000  }
0xdf: {  	[bflag:$0x0] =	sbarrier.arrive $0xFFFF  }
0xe0: {  	p0 =	sne.s32 s0, $0x0;
	_ =	strace $0x90000047  }
0xe1: {  	s0 =	sadd.s32 @!p0 $0x100000, s5;
	[bflag:$0x2] =	sbarrier.arrive $0xFFFF  }
0xe2: {  	[sflag:s0] =	ssyncadd.tile.s32 @!p0 $0x1;
	_ =	shalt  }
.Lfunc_end2:
_tile_overlayer_lowered:
.L_overlay_start_2:
0xe3: {  	(tag) =	ssettag $0x2  }
0xe4: {  	s0 =	rddreg [dreg:$0x0];
	s2 =	stileid.u32  }
0xe5: {  	s1 =	rddreg [dreg:$0x1];
	p0 =	sne.s32 s2, $0x0  }
0xe6: {  	s3 =	rddreg [dreg:$0x2];
	[bflag:$0x3] =	sbarrier.arrive $0xFFFF;
	s2 =	simm.s32 @!p0 $0x1C03  }
0xe7: {  	[timem:s3], [sflag:s2] =	dma.local @!p0 [hbm:s0], s1  }
0xe8: {  	s0 =	simm.s32 @!p0 $0x3  }
0xe9: {  	_ =	swait.ge @!p0 [sflag:s0], s1  }
0xea: {  	s1 =	ssub.s32 @!p0 $0x0, s1;
	[sflag:s0] =	ssyncset.done @!p0 $0x0  }
0xeb: {  	[sflag:s0] =	ssyncadd.s32 @!p0 s1  }
0xec: {  	[bflag:$0x3] =	sbarrier.arrive $0xFFFF  }
0xed: {  	_ =	shalt  }

</sc_bundles>
